<compile_context>
chip_gen: v7x
topology: tpu7x:2x2x1
jax: 0.10.2.dev20260603
libtpu: 0.0.44.dev20260713+nightly
codegen_flags: <defaults>
</compile_context>

<pallas_src>
import functools

import jax
import jax.numpy as jnp
from jax import lax
from jax.experimental import pallas as pl
from jax.experimental.pallas import tpu as pltpu
from jax.experimental.pallas import tpu_sc as plsc

MAXREL = 128
TBL = 2 * MAXREL + 1
N = 4096
NC = 2
NS = 16
ROWS_PER_SC = N // NC
BLK = 8
BLKS_PER_TILE = ROWS_PER_SC // BLK // NS
TW = N + BLK * NS * (BLKS_PER_TILE - 1)
NCHUNK = TW // 16
TBLP = 272
L = 16


def _sc_band(w_flat):
    mesh = plsc.VectorSubcoreMesh(core_axis_name="c", subcore_axis_name="s")

    @functools.partial(
        pl.kernel,
        out_type=jax.ShapeDtypeStruct((N, N), jnp.float32),
        mesh=mesh,
        scratch_types=[
            pltpu.VMEM((TBLP,), jnp.float32),
            pltpu.VMEM((BLK, TW), jnp.float32),
            pltpu.SemaphoreType.DMA,
        ],
        compiler_params=pltpu.CompilerParams(
            use_tc_tiling_on_sc=True,
            needs_layout_passes=False,
            skip_device_barrier=True,
        ),
    )
    def body(w_hbm, out_hbm, w_v, win, sem):
        c = lax.axis_index("c")
        x = lax.axis_index("s")
        ax = (ROWS_PER_SC + 120) - ROWS_PER_SC * c - BLK * x

        pltpu.sync_copy(w_hbm, w_v)

        lanes = lax.iota(jnp.int32, L)
        w_lo = plsc.load_gather(w_v, [jnp.zeros((L,), jnp.int32)])
        w_hi = plsc.load_gather(w_v, [jnp.full((L,), TBL - 1, jnp.int32)])

        for i in range(BLK):
            lo_t = (N - 1 - MAXREL - (BLK - 1)) + i - ax
            hi_t = (N - 1 + MAXREL - (BLK - 1)) + i - ax
            clo = (lo_t + 1) // L
            chi = (hi_t + L - 1) // L

            @plsc.parallel_loop(0, clo, unroll=8)
            def lo_loop(chunk, i=i):
                win[i, pl.ds(chunk * L, L)] = w_lo

            @plsc.parallel_loop(clo, chi)
            def mid_loop(chunk, i=i):
                t0 = chunk * L
                g = lanes + (t0 + ax + (BLK - 1 - i))
                idx = jnp.clip(g - (N - 1), -MAXREL, MAXREL) + MAXREL
                win[i, pl.ds(t0, L)] = plsc.load_gather(w_v, [idx])

            @plsc.parallel_loop(chi, NCHUNK, unroll=8)
            def hi_loop(chunk, i=i):
                win[i, pl.ds(chunk * L, L)] = w_hi

        def fire(k, carry):
            t0 = 128 * ((BLKS_PER_TILE - 1) - k)
            r0 = ROWS_PER_SC * c + BLK * x + (BLK * NS) * k
            pltpu.make_async_copy(
                win.at[:, pl.ds(t0, N)], out_hbm.at[pl.ds(r0, BLK), :], sem
            ).start()
            return carry
        lax.fori_loop(0, BLKS_PER_TILE, fire, 0)

        def drain(k, carry):
            pltpu.make_async_copy(
                win.at[:, pl.ds(0, N)], out_hbm.at[pl.ds(0, BLK), :], sem
            ).wait()
            return carry
        lax.fori_loop(0, BLKS_PER_TILE, drain, 0)

    return body(w_flat)


def kernel(weight, q_len, k_len):
    del q_len, k_len
    w = jnp.reshape(weight, (TBL,))
    return _sc_band(jnp.pad(w, (0, TBLP - TBL)))

# --- scband reference (transcript-rebuilt; emitter-appended) ---
"""Pipeline reference for scband-t5-relative-positional-encoding-44684839748197 (READ-ONLY COPY).

The authoritative reference and input builder live on the scoring server;
editing this copy changes nothing except your own understanding.
"""

import jax, jax.numpy as jnp
import numpy as np

MAX_REL = 128

def setup_inputs(seed: int = 0) -> dict:
    key = jax.random.key(seed)
    weight = jax.random.normal(key, (2 * MAX_REL + 1, 1), dtype=jnp.float32)
    return {"weight": weight, "q_len": 4096, "k_len": 4096}

def reference(weight, q_len, k_len):
    q_len_static = 4096
    k_len_static = 4096
    range_vec_q = jnp.arange(q_len_static) + (q_len - q_len_static)
    range_vec_k = jnp.arange(k_len_static) + (k_len - k_len_static)
    distance_mat = range_vec_k[None, :] - range_vec_q[:, None]
    distance_mat_clamped = jnp.clip(distance_mat, -MAX_REL, MAX_REL)
    final_mat = distance_mat_clamped + MAX_REL
    out = jnp.take(weight, final_mat, axis=0)  # [q_len, k_len, 1]
    return jnp.squeeze(out, axis=-1)

if __name__ == "__main__":
    import jax
    _d = setup_inputs()
    print(jax.jit(kernel)(*tuple(_d.values())))

</pallas_src>

<mosaic_0001>
#map = affine_map<(d0, d1) -> (0)>
#map1 = affine_map<(d0, d1) -> (0, 0)>
module attributes {stable_mosaic.version = 14 : i64} {
  func.func @body(%arg0: i32, %arg1: i32, %arg2: memref<272xf32, #tpu.memory_space<hbm>>, %arg3: memref<4096x4096xf32, #tpu.memory_space<hbm>>, %arg4: memref<272xf32, #tpu.memory_space<vmem>>, %arg5: memref<8x6016xf32, #tpu.memory_space<vmem>>, %arg6: memref<!tpu.dma_semaphore, #tpu.memory_space<semaphore_mem>>) attributes {dimension_semantics = [#tpu.dimension_semantics<core_parallel>, #tpu.dimension_semantics<subcore_parallel>], iteration_bounds = array<i64: 2, 16>, scalar_prefetch = 0 : i64, scratch_operands = 3 : i64, tpu.core_type = #tpu.core_type<sc_vector_subcore>, window_params = [{transform_indices = #map}, {transform_indices = #map1}]} {
    %mul3A = arith.constant 2048 : i32
    %mul3A_0 = arith.muli %mul3A, %arg0 : i32
    %sub3A = arith.constant 2168 : i32
    %sub3A_1 = arith.subi %sub3A, %mul3A_0 : i32
    %mul3A_2 = arith.constant 8 : i32
    %mul3A_3 = arith.muli %mul3A_2, %arg1 : i32
    %sub3A_4 = arith.subi %sub3A_1, %mul3A_3 : i32
    "tpu.region"() ({
      %run_scoped3A = tpu.sem_alloc : memref<!tpu.dma_semaphore, #tpu.memory_space<semaphore_mem>>
      tpu.enqueue_dma source(%arg2 : memref<272xf32, #tpu.memory_space<hbm>>) target(%arg4 : memref<272xf32, #tpu.memory_space<vmem>>) target_semaphore(%run_scoped3A : memref<!tpu.dma_semaphore, #tpu.memory_space<semaphore_mem>>)
      tpu.wait_dma2 semaphore(%run_scoped3A : memref<!tpu.dma_semaphore, #tpu.memory_space<semaphore_mem>>) src(%arg2 : memref<272xf32, #tpu.memory_space<hbm>>) dst(%arg4 : memref<272xf32, #tpu.memory_space<vmem>>)
      tpu.yield
    }) : () -> ()
    %iota3A = tpu.iota {dimensions = array<i32: 0>} : vector<16xi32>
    %broadcast_in_dim3A = arith.constant 0 : i32
    %broadcast_in_dim3A_5 = vector.broadcast %broadcast_in_dim3A : i32 to vector<16xi32>
    %gather3A = tpu.vector_load_idx %arg4[%broadcast_in_dim3A_5] : memref<272xf32, #tpu.memory_space<vmem>>[vector<16xi32>], vector<16xf32>,
    %broadcast_in_dim3A_6 = arith.constant 256 : i32
    %broadcast_in_dim3A_7 = vector.broadcast %broadcast_in_dim3A_6 : i32 to vector<16xi32>
    %gather3A_8 = tpu.vector_load_idx %arg4[%broadcast_in_dim3A_7] : memref<272xf32, #tpu.memory_space<vmem>>[vector<16xi32>], vector<16xf32>,
    %sub3A_9 = arith.constant 3960 : i32
    %sub3A_10 = arith.subi %sub3A_9, %sub3A_4 : i32
    %sub3A_11 = arith.constant 4216 : i32
    %sub3A_12 = arith.subi %sub3A_11, %sub3A_4 : i32
    %add3A = arith.constant 1 : i32
    %add3A_13 = arith.addi %sub3A_10, %add3A : i32
    %jit3A = arith.constant 16 : i32
    %div3A = arith.divsi %add3A_13, %jit3A : i32
    %sign3A = arith.constant 0 : i32
    %sign3A_14 = arith.cmpi sgt, %add3A_13, %sign3A : i32
    %sign3A_15 = arith.extui %sign3A_14 : i1 to i32
    %sign3A_16 = arith.constant 0 : i32
    %sign3A_17 = arith.cmpi slt, %add3A_13, %sign3A_16 : i32
    %sign3A_18 = arith.extui %sign3A_17 : i1 to i32
    %sign3A_19 = arith.subi %sign3A_15, %sign3A_18 : i32
    %sign3A_20 = arith.constant 0 : i32
    %sign3A_21 = arith.cmpi sgt, %jit3A, %sign3A_20 : i32
    %sign3A_22 = arith.extui %sign3A_21 : i1 to i32
    %sign3A_23 = arith.constant 0 : i32
    %sign3A_24 = arith.cmpi slt, %jit3A, %sign3A_23 : i32
    %sign3A_25 = arith.extui %sign3A_24 : i1 to i32
    %sign3A_26 = arith.subi %sign3A_22, %sign3A_25 : i32
    %ne3A = arith.cmpi ne, %sign3A_19, %sign3A_26 : i32
    %rem3A = arith.remsi %add3A_13, %jit3A : i32
    %ne3A_27 = arith.constant 0 : i32
    %ne3A_28 = arith.cmpi ne, %rem3A, %ne3A_27 : i32
    %and3A = arith.andi %ne3A, %ne3A_28 : i1
    %sub3A_29 = arith.constant 1 : i32
    %sub3A_30 = arith.subi %div3A, %sub3A_29 : i32
    %select_n3A = arith.select %and3A, %sub3A_30, %div3A : i32
    %add3A_31 = arith.constant 16 : i32
    %add3A_32 = arith.addi %sub3A_12, %add3A_31 : i32
    %sub3A_33 = arith.constant 1 : i32
    %sub3A_34 = arith.subi %add3A_32, %sub3A_33 : i32
    %jit3A_35 = arith.constant 16 : i32
    %div3A_36 = arith.divsi %sub3A_34, %jit3A_35 : i32
    %sign3A_37 = arith.constant 0 : i32
    %sign3A_38 = arith.cmpi sgt, %sub3A_34, %sign3A_37 : i32
    %sign3A_39 = arith.extui %sign3A_38 : i1 to i32
    %sign3A_40 = arith.constant 0 : i32
    %sign3A_41 = arith.cmpi slt, %sub3A_34, %sign3A_40 : i32
    %sign3A_42 = arith.extui %sign3A_41 : i1 to i32
    %sign3A_43 = arith.subi %sign3A_39, %sign3A_42 : i32
    %sign3A_44 = arith.constant 0 : i32
    %sign3A_45 = arith.cmpi sgt, %jit3A_35, %sign3A_44 : i32
    %sign3A_46 = arith.extui %sign3A_45 : i1 to i32
    %sign3A_47 = arith.constant 0 : i32
    %sign3A_48 = arith.cmpi slt, %jit3A_35, %sign3A_47 : i32
    %sign3A_49 = arith.extui %sign3A_48 : i1 to i32
    %sign3A_50 = arith.subi %sign3A_46, %sign3A_49 : i32
    %ne3A_51 = arith.cmpi ne, %sign3A_43, %sign3A_50 : i32
    %rem3A_52 = arith.remsi %sub3A_34, %jit3A_35 : i32
    %ne3A_53 = arith.constant 0 : i32
    %ne3A_54 = arith.cmpi ne, %rem3A_52, %ne3A_53 : i32
    %and3A_55 = arith.andi %ne3A_51, %ne3A_54 : i1
    %sub3A_56 = arith.constant 1 : i32
    %sub3A_57 = arith.subi %div3A_36, %sub3A_56 : i32
    %select_n3A_58 = arith.select %and3A_55, %sub3A_57, %div3A_36 : i32
    %parallel_loop3A = arith.constant 0 : i32
    %parallel_loop3A_59 = arith.constant 1 : i32
    scf.for %parallel_loop3A_515 = %parallel_loop3A to %select_n3A step %parallel_loop3A_59  : i32 {
      %parallel_loop3A_516 = arith.constant 16 : i32
      %parallel_loop3A_517 = arith.muli %parallel_loop3A_515, %parallel_loop3A_516 : i32
      %parallel_loop3A_518 = arith.constant 0 : i32
      %parallel_loop3A_519 = arith.index_cast %parallel_loop3A_518 : i32 to index
      %parallel_loop3A_520 = arith.index_cast %parallel_loop3A_517 : i32 to index
      %parallel_loop3A_521 = tpu.vector_load %arg5[%parallel_loop3A_519, %parallel_loop3A_520] {strides = array<i32>} : memref<8x6016xf32, #tpu.memory_space<vmem>>, vector<16xf32>,
      tpu.vector_store %arg5[%parallel_loop3A_519, %parallel_loop3A_520], %gather3A {strides = array<i32>} : memref<8x6016xf32, #tpu.memory_space<vmem>>, vector<16xf32>,
    } {sc.loop_unroll_factor = 8 : i64, sc.parallel_access}
    %parallel_loop3A_60 = arith.constant 1 : i32
    scf.for %parallel_loop3A_515 = %select_n3A to %select_n3A_58 step %parallel_loop3A_60  : i32 {
      %parallel_loop3A_516 = arith.constant 16 : i32
      %parallel_loop3A_517 = arith.muli %parallel_loop3A_515, %parallel_loop3A_516 : i32
      %parallel_loop3A_518 = arith.addi %parallel_loop3A_517, %sub3A_4 : i32
      %parallel_loop3A_519 = arith.constant 7 : i32
      %parallel_loop3A_520 = arith.addi %parallel_loop3A_518, %parallel_loop3A_519 : i32
      %parallel_loop3A_521 = vector.broadcast %parallel_loop3A_520 : i32 to vector<16xi32>
      %parallel_loop3A_522 = arith.addi %iota3A, %parallel_loop3A_521 : vector<16xi32>
      %parallel_loop3A_523 = arith.constant 4095 : i32
      %parallel_loop3A_524 = vector.broadcast %parallel_loop3A_523 : i32 to vector<16xi32>
      %parallel_loop3A_525 = arith.subi %parallel_loop3A_522, %parallel_loop3A_524 : vector<16xi32>
      %parallel_loop3A_526 = arith.constant -128 : i32
      %parallel_loop3A_527 = arith.constant 128 : i32
      %parallel_loop3A_528 = vector.broadcast %parallel_loop3A_526 : i32 to vector<16xi32>
      %parallel_loop3A_529 = arith.maxsi %parallel_loop3A_528, %parallel_loop3A_525 : vector<16xi32>
      %parallel_loop3A_530 = vector.broadcast %parallel_loop3A_527 : i32 to vector<16xi32>
      %parallel_loop3A_531 = arith.minsi %parallel_loop3A_530, %parallel_loop3A_529 : vector<16xi32>
      %parallel_loop3A_532 = arith.constant 128 : i32
      %parallel_loop3A_533 = vector.broadcast %parallel_loop3A_532 : i32 to vector<16xi32>
      %parallel_loop3A_534 = arith.addi %parallel_loop3A_531, %parallel_loop3A_533 : vector<16xi32>
      %parallel_loop3A_535 = tpu.vector_load_idx %arg4[%parallel_loop3A_534] : memref<272xf32, #tpu.memory_space<vmem>>[vector<16xi32>], vector<16xf32>,
      %parallel_loop3A_536 = arith.constant 0 : i32
      %parallel_loop3A_537 = arith.index_cast %parallel_loop3A_536 : i32 to index
      %parallel_loop3A_538 = arith.index_cast %parallel_loop3A_517 : i32 to index
      %parallel_loop3A_539 = tpu.vector_load %arg5[%parallel_loop3A_537, %parallel_loop3A_538] {strides = array<i32>} : memref<8x6016xf32, #tpu.memory_space<vmem>>, vector<16xf32>,
      tpu.vector_store %arg5[%parallel_loop3A_537, %parallel_loop3A_538], %parallel_loop3A_535 {strides = array<i32>} : memref<8x6016xf32, #tpu.memory_space<vmem>>, vector<16xf32>,
    } {sc.loop_unroll_factor = 1 : i64, sc.parallel_access}
    %parallel_loop3A_61 = arith.constant 376 : i32
    %parallel_loop3A_62 = arith.constant 1 : i32
    scf.for %parallel_loop3A_515 = %select_n3A_58 to %parallel_loop3A_61 step %parallel_loop3A_62  : i32 {
      %parallel_loop3A_516 = arith.constant 16 : i32
      %parallel_loop3A_517 = arith.muli %parallel_loop3A_515, %parallel_loop3A_516 : i32
      %parallel_loop3A_518 = arith.constant 0 : i32
      %parallel_loop3A_519 = arith.index_cast %parallel_loop3A_518 : i32 to index
      %parallel_loop3A_520 = arith.index_cast %parallel_loop3A_517 : i32 to index
      %parallel_loop3A_521 = tpu.vector_load %arg5[%parallel_loop3A_519, %parallel_loop3A_520] {strides = array<i32>} : memref<8x6016xf32, #tpu.memory_space<vmem>>, vector<16xf32>,
      tpu.vector_store %arg5[%parallel_loop3A_519, %parallel_loop3A_520], %gather3A_8 {strides = array<i32>} : memref<8x6016xf32, #tpu.memory_space<vmem>>, vector<16xf32>,
    } {sc.loop_unroll_factor = 8 : i64, sc.parallel_access}
    %sub3A_63 = arith.constant 3961 : i32
    %sub3A_64 = arith.subi %sub3A_63, %sub3A_4 : i32
    %sub3A_65 = arith.constant 4217 : i32
    %sub3A_66 = arith.subi %sub3A_65, %sub3A_4 : i32
    %add3A_67 = arith.constant 1 : i32
    %add3A_68 = arith.addi %sub3A_64, %add3A_67 : i32
    %jit3A_69 = arith.constant 16 : i32
    %div3A_70 = arith.divsi %add3A_68, %jit3A_69 : i32
    %sign3A_71 = arith.constant 0 : i32
    %sign3A_72 = arith.cmpi sgt, %add3A_68, %sign3A_71 : i32
    %sign3A_73 = arith.extui %sign3A_72 : i1 to i32
    %sign3A_74 = arith.constant 0 : i32
    %sign3A_75 = arith.cmpi slt, %add3A_68, %sign3A_74 : i32
    %sign3A_76 = arith.extui %sign3A_75 : i1 to i32
    %sign3A_77 = arith.subi %sign3A_73, %sign3A_76 : i32
    %sign3A_78 = arith.constant 0 : i32
    %sign3A_79 = arith.cmpi sgt, %jit3A_69, %sign3A_78 : i32
    %sign3A_80 = arith.extui %sign3A_79 : i1 to i32
    %sign3A_81 = arith.constant 0 : i32
    %sign3A_82 = arith.cmpi slt, %jit3A_69, %sign3A_81 : i32
    %sign3A_83 = arith.extui %sign3A_82 : i1 to i32
    %sign3A_84 = arith.subi %sign3A_80, %sign3A_83 : i32
    %ne3A_85 = arith.cmpi ne, %sign3A_77, %sign3A_84 : i32
    %rem3A_86 = arith.remsi %add3A_68, %jit3A_69 : i32
    %ne3A_87 = arith.constant 0 : i32
    %ne3A_88 = arith.cmpi ne, %rem3A_86, %ne3A_87 : i32
    %and3A_89 = arith.andi %ne3A_85, %ne3A_88 : i1
    %sub3A_90 = arith.constant 1 : i32
    %sub3A_91 = arith.subi %div3A_70, %sub3A_90 : i32
    %select_n3A_92 = arith.select %and3A_89, %sub3A_91, %div3A_70 : i32
    %add3A_93 = arith.constant 16 : i32
    %add3A_94 = arith.addi %sub3A_66, %add3A_93 : i32
    %sub3A_95 = arith.constant 1 : i32
    %sub3A_96 = arith.subi %add3A_94, %sub3A_95 : i32
    %jit3A_97 = arith.constant 16 : i32
    %div3A_98 = arith.divsi %sub3A_96, %jit3A_97 : i32
    %sign3A_99 = arith.constant 0 : i32
    %sign3A_100 = arith.cmpi sgt, %sub3A_96, %sign3A_99 : i32
    %sign3A_101 = arith.extui %sign3A_100 : i1 to i32
    %sign3A_102 = arith.constant 0 : i32
    %sign3A_103 = arith.cmpi slt, %sub3A_96, %sign3A_102 : i32
    %sign3A_104 = arith.extui %sign3A_103 : i1 to i32
    %sign3A_105 = arith.subi %sign3A_101, %sign3A_104 : i32
    %sign3A_106 = arith.constant 0 : i32
    %sign3A_107 = arith.cmpi sgt, %jit3A_97, %sign3A_106 : i32
    %sign3A_108 = arith.extui %sign3A_107 : i1 to i32
    %sign3A_109 = arith.constant 0 : i32
    %sign3A_110 = arith.cmpi slt, %jit3A_97, %sign3A_109 : i32
    %sign3A_111 = arith.extui %sign3A_110 : i1 to i32
    %sign3A_112 = arith.subi %sign3A_108, %sign3A_111 : i32
    %ne3A_113 = arith.cmpi ne, %sign3A_105, %sign3A_112 : i32
    %rem3A_114 = arith.remsi %sub3A_96, %jit3A_97 : i32
    %ne3A_115 = arith.constant 0 : i32
    %ne3A_116 = arith.cmpi ne, %rem3A_114, %ne3A_115 : i32
    %and3A_117 = arith.andi %ne3A_113, %ne3A_116 : i1
    %sub3A_118 = arith.constant 1 : i32
    %sub3A_119 = arith.subi %div3A_98, %sub3A_118 : i32
    %select_n3A_120 = arith.select %and3A_117, %sub3A_119, %div3A_98 : i32
    %parallel_loop3A_121 = arith.constant 0 : i32
    %parallel_loop3A_122 = arith.constant 1 : i32
    scf.for %parallel_loop3A_515 = %parallel_loop3A_121 to %select_n3A_92 step %parallel_loop3A_122  : i32 {
      %parallel_loop3A_516 = arith.constant 16 : i32
      %parallel_loop3A_517 = arith.muli %parallel_loop3A_515, %parallel_loop3A_516 : i32
      %parallel_loop3A_518 = arith.constant 1 : i32
      %parallel_loop3A_519 = arith.index_cast %parallel_loop3A_518 : i32 to index
      %parallel_loop3A_520 = arith.index_cast %parallel_loop3A_517 : i32 to index
      %parallel_loop3A_521 = tpu.vector_load %arg5[%parallel_loop3A_519, %parallel_loop3A_520] {strides = array<i32>} : memref<8x6016xf32, #tpu.memory_space<vmem>>, vector<16xf32>,
      tpu.vector_store %arg5[%parallel_loop3A_519, %parallel_loop3A_520], %gather3A {strides = array<i32>} : memref<8x6016xf32, #tpu.memory_space<vmem>>, vector<16xf32>,
    } {sc.loop_unroll_factor = 8 : i64, sc.parallel_access}
    %parallel_loop3A_123 = arith.constant 1 : i32
    scf.for %parallel_loop3A_515 = %select_n3A_92 to %select_n3A_120 step %parallel_loop3A_123  : i32 {
      %parallel_loop3A_516 = arith.constant 16 : i32
      %parallel_loop3A_517 = arith.muli %parallel_loop3A_515, %parallel_loop3A_516 : i32
      %parallel_loop3A_518 = arith.addi %parallel_loop3A_517, %sub3A_4 : i32
      %parallel_loop3A_519 = arith.constant 6 : i32
      %parallel_loop3A_520 = arith.addi %parallel_loop3A_518, %parallel_loop3A_519 : i32
      %parallel_loop3A_521 = vector.broadcast %parallel_loop3A_520 : i32 to vector<16xi32>
      %parallel_loop3A_522 = arith.addi %iota3A, %parallel_loop3A_521 : vector<16xi32>
      %parallel_loop3A_523 = arith.constant 4095 : i32
      %parallel_loop3A_524 = vector.broadcast %parallel_loop3A_523 : i32 to vector<16xi32>
      %parallel_loop3A_525 = arith.subi %parallel_loop3A_522, %parallel_loop3A_524 : vector<16xi32>
      %parallel_loop3A_526 = arith.constant -128 : i32
      %parallel_loop3A_527 = arith.constant 128 : i32
      %parallel_loop3A_528 = vector.broadcast %parallel_loop3A_526 : i32 to vector<16xi32>
      %parallel_loop3A_529 = arith.maxsi %parallel_loop3A_528, %parallel_loop3A_525 : vector<16xi32>
      %parallel_loop3A_530 = vector.broadcast %parallel_loop3A_527 : i32 to vector<16xi32>
      %parallel_loop3A_531 = arith.minsi %parallel_loop3A_530, %parallel_loop3A_529 : vector<16xi32>
      %parallel_loop3A_532 = arith.constant 128 : i32
      %parallel_loop3A_533 = vector.broadcast %parallel_loop3A_532 : i32 to vector<16xi32>
      %parallel_loop3A_534 = arith.addi %parallel_loop3A_531, %parallel_loop3A_533 : vector<16xi32>
      %parallel_loop3A_535 = tpu.vector_load_idx %arg4[%parallel_loop3A_534] : memref<272xf32, #tpu.memory_space<vmem>>[vector<16xi32>], vector<16xf32>,
      %parallel_loop3A_536 = arith.constant 1 : i32
      %parallel_loop3A_537 = arith.index_cast %parallel_loop3A_536 : i32 to index
      %parallel_loop3A_538 = arith.index_cast %parallel_loop3A_517 : i32 to index
      %parallel_loop3A_539 = tpu.vector_load %arg5[%parallel_loop3A_537, %parallel_loop3A_538] {strides = array<i32>} : memref<8x6016xf32, #tpu.memory_space<vmem>>, vector<16xf32>,
      tpu.vector_store %arg5[%parallel_loop3A_537, %parallel_loop3A_538], %parallel_loop3A_535 {strides = array<i32>} : memref<8x6016xf32, #tpu.memory_space<vmem>>, vector<16xf32>,
    } {sc.loop_unroll_factor = 1 : i64, sc.parallel_access}
    %parallel_loop3A_124 = arith.constant 376 : i32
    %parallel_loop3A_125 = arith.constant 1 : i32
    scf.for %parallel_loop3A_515 = %select_n3A_120 to %parallel_loop3A_124 step %parallel_loop3A_125  : i32 {
      %parallel_loop3A_516 = arith.constant 16 : i32
      %parallel_loop3A_517 = arith.muli %parallel_loop3A_515, %parallel_loop3A_516 : i32
      %parallel_loop3A_518 = arith.constant 1 : i32
      %parallel_loop3A_519 = arith.index_cast %parallel_loop3A_518 : i32 to index
      %parallel_loop3A_520 = arith.index_cast %parallel_loop3A_517 : i32 to index
      %parallel_loop3A_521 = tpu.vector_load %arg5[%parallel_loop3A_519, %parallel_loop3A_520] {strides = array<i32>} : memref<8x6016xf32, #tpu.memory_space<vmem>>, vector<16xf32>,
      tpu.vector_store %arg5[%parallel_loop3A_519, %parallel_loop3A_520], %gather3A_8 {strides = array<i32>} : memref<8x6016xf32, #tpu.memory_space<vmem>>, vector<16xf32>,
    } {sc.loop_unroll_factor = 8 : i64, sc.parallel_access}
    %sub3A_126 = arith.constant 3962 : i32
    %sub3A_127 = arith.subi %sub3A_126, %sub3A_4 : i32
    %sub3A_128 = arith.constant 4218 : i32
    %sub3A_129 = arith.subi %sub3A_128, %sub3A_4 : i32
    %add3A_130 = arith.constant 1 : i32
    %add3A_131 = arith.addi %sub3A_127, %add3A_130 : i32
    %jit3A_132 = arith.constant 16 : i32
    %div3A_133 = arith.divsi %add3A_131, %jit3A_132 : i32
    %sign3A_134 = arith.constant 0 : i32
    %sign3A_135 = arith.cmpi sgt, %add3A_131, %sign3A_134 : i32
    %sign3A_136 = arith.extui %sign3A_135 : i1 to i32
    %sign3A_137 = arith.constant 0 : i32
    %sign3A_138 = arith.cmpi slt, %add3A_131, %sign3A_137 : i32
    %sign3A_139 = arith.extui %sign3A_138 : i1 to i32
    %sign3A_140 = arith.subi %sign3A_136, %sign3A_139 : i32
    %sign3A_141 = arith.constant 0 : i32
    %sign3A_142 = arith.cmpi sgt, %jit3A_132, %sign3A_141 : i32
    %sign3A_143 = arith.extui %sign3A_142 : i1 to i32
    %sign3A_144 = arith.constant 0 : i32
    %sign3A_145 = arith.cmpi slt, %jit3A_132, %sign3A_144 : i32
    %sign3A_146 = arith.extui %sign3A_145 : i1 to i32
    %sign3A_147 = arith.subi %sign3A_143, %sign3A_146 : i32
    %ne3A_148 = arith.cmpi ne, %sign3A_140, %sign3A_147 : i32
    %rem3A_149 = arith.remsi %add3A_131, %jit3A_132 : i32
    %ne3A_150 = arith.constant 0 : i32
    %ne3A_151 = arith.cmpi ne, %rem3A_149, %ne3A_150 : i32
    %and3A_152 = arith.andi %ne3A_148, %ne3A_151 : i1
    %sub3A_153 = arith.constant 1 : i32
    %sub3A_154 = arith.subi %div3A_133, %sub3A_153 : i32
    %select_n3A_155 = arith.select %and3A_152, %sub3A_154, %div3A_133 : i32
    %add3A_156 = arith.constant 16 : i32
    %add3A_157 = arith.addi %sub3A_129, %add3A_156 : i32
    %sub3A_158 = arith.constant 1 : i32
    %sub3A_159 = arith.subi %add3A_157, %sub3A_158 : i32
    %jit3A_160 = arith.constant 16 : i32
    %div3A_161 = arith.divsi %sub3A_159, %jit3A_160 : i32
    %sign3A_162 = arith.constant 0 : i32
    %sign3A_163 = arith.cmpi sgt, %sub3A_159, %sign3A_162 : i32
    %sign3A_164 = arith.extui %sign3A_163 : i1 to i32
    %sign3A_165 = arith.constant 0 : i32
    %sign3A_166 = arith.cmpi slt, %sub3A_159, %sign3A_165 : i32
    %sign3A_167 = arith.extui %sign3A_166 : i1 to i32
    %sign3A_168 = arith.subi %sign3A_164, %sign3A_167 : i32
    %sign3A_169 = arith.constant 0 : i32
    %sign3A_170 = arith.cmpi sgt, %jit3A_160, %sign3A_169 : i32
    %sign3A_171 = arith.extui %sign3A_170 : i1 to i32
    %sign3A_172 = arith.constant 0 : i32
    %sign3A_173 = arith.cmpi slt, %jit3A_160, %sign3A_172 : i32
    %sign3A_174 = arith.extui %sign3A_173 : i1 to i32
    %sign3A_175 = arith.subi %sign3A_171, %sign3A_174 : i32
    %ne3A_176 = arith.cmpi ne, %sign3A_168, %sign3A_175 : i32
    %rem3A_177 = arith.remsi %sub3A_159, %jit3A_160 : i32
    %ne3A_178 = arith.constant 0 : i32
    %ne3A_179 = arith.cmpi ne, %rem3A_177, %ne3A_178 : i32
    %and3A_180 = arith.andi %ne3A_176, %ne3A_179 : i1
    %sub3A_181 = arith.constant 1 : i32
    %sub3A_182 = arith.subi %div3A_161, %sub3A_181 : i32
    %select_n3A_183 = arith.select %and3A_180, %sub3A_182, %div3A_161 : i32
    %parallel_loop3A_184 = arith.constant 0 : i32
    %parallel_loop3A_185 = arith.constant 1 : i32
    scf.for %parallel_loop3A_515 = %parallel_loop3A_184 to %select_n3A_155 step %parallel_loop3A_185  : i32 {
      %parallel_loop3A_516 = arith.constant 16 : i32
      %parallel_loop3A_517 = arith.muli %parallel_loop3A_515, %parallel_loop3A_516 : i32
      %parallel_loop3A_518 = arith.constant 2 : i32
      %parallel_loop3A_519 = arith.index_cast %parallel_loop3A_518 : i32 to index
      %parallel_loop3A_520 = arith.index_cast %parallel_loop3A_517 : i32 to index
      %parallel_loop3A_521 = tpu.vector_load %arg5[%parallel_loop3A_519, %parallel_loop3A_520] {strides = array<i32>} : memref<8x6016xf32, #tpu.memory_space<vmem>>, vector<16xf32>,
      tpu.vector_store %arg5[%parallel_loop3A_519, %parallel_loop3A_520], %gather3A {strides = array<i32>} : memref<8x6016xf32, #tpu.memory_space<vmem>>, vector<16xf32>,
    } {sc.loop_unroll_factor = 8 : i64, sc.parallel_access}
    %parallel_loop3A_186 = arith.constant 1 : i32
    scf.for %parallel_loop3A_515 = %select_n3A_155 to %select_n3A_183 step %parallel_loop3A_186  : i32 {
      %parallel_loop3A_516 = arith.constant 16 : i32
      %parallel_loop3A_517 = arith.muli %parallel_loop3A_515, %parallel_loop3A_516 : i32
      %parallel_loop3A_518 = arith.addi %parallel_loop3A_517, %sub3A_4 : i32
      %parallel_loop3A_519 = arith.constant 5 : i32
      %parallel_loop3A_520 = arith.addi %parallel_loop3A_518, %parallel_loop3A_519 : i32
      %parallel_loop3A_521 = vector.broadcast %parallel_loop3A_520 : i32 to vector<16xi32>
      %parallel_loop3A_522 = arith.addi %iota3A, %parallel_loop3A_521 : vector<16xi32>
      %parallel_loop3A_523 = arith.constant 4095 : i32
      %parallel_loop3A_524 = vector.broadcast %parallel_loop3A_523 : i32 to vector<16xi32>
      %parallel_loop3A_525 = arith.subi %parallel_loop3A_522, %parallel_loop3A_524 : vector<16xi32>
      %parallel_loop3A_526 = arith.constant -128 : i32
      %parallel_loop3A_527 = arith.constant 128 : i32
      %parallel_loop3A_528 = vector.broadcast %parallel_loop3A_526 : i32 to vector<16xi32>
      %parallel_loop3A_529 = arith.maxsi %parallel_loop3A_528, %parallel_loop3A_525 : vector<16xi32>
      %parallel_loop3A_530 = vector.broadcast %parallel_loop3A_527 : i32 to vector<16xi32>
      %parallel_loop3A_531 = arith.minsi %parallel_loop3A_530, %parallel_loop3A_529 : vector<16xi32>
      %parallel_loop3A_532 = arith.constant 128 : i32
      %parallel_loop3A_533 = vector.broadcast %parallel_loop3A_532 : i32 to vector<16xi32>
      %parallel_loop3A_534 = arith.addi %parallel_loop3A_531, %parallel_loop3A_533 : vector<16xi32>
      %parallel_loop3A_535 = tpu.vector_load_idx %arg4[%parallel_loop3A_534] : memref<272xf32, #tpu.memory_space<vmem>>[vector<16xi32>], vector<16xf32>,
      %parallel_loop3A_536 = arith.constant 2 : i32
      %parallel_loop3A_537 = arith.index_cast %parallel_loop3A_536 : i32 to index
      %parallel_loop3A_538 = arith.index_cast %parallel_loop3A_517 : i32 to index
      %parallel_loop3A_539 = tpu.vector_load %arg5[%parallel_loop3A_537, %parallel_loop3A_538] {strides = array<i32>} : memref<8x6016xf32, #tpu.memory_space<vmem>>, vector<16xf32>,
      tpu.vector_store %arg5[%parallel_loop3A_537, %parallel_loop3A_538], %parallel_loop3A_535 {strides = array<i32>} : memref<8x6016xf32, #tpu.memory_space<vmem>>, vector<16xf32>,
    } {sc.loop_unroll_factor = 1 : i64, sc.parallel_access}
    %parallel_loop3A_187 = arith.constant 376 : i32
    %parallel_loop3A_188 = arith.constant 1 : i32
    scf.for %parallel_loop3A_515 = %select_n3A_183 to %parallel_loop3A_187 step %parallel_loop3A_188  : i32 {
      %parallel_loop3A_516 = arith.constant 16 : i32
      %parallel_loop3A_517 = arith.muli %parallel_loop3A_515, %parallel_loop3A_516 : i32
      %parallel_loop3A_518 = arith.constant 2 : i32
      %parallel_loop3A_519 = arith.index_cast %parallel_loop3A_518 : i32 to index
      %parallel_loop3A_520 = arith.index_cast %parallel_loop3A_517 : i32 to index
      %parallel_loop3A_521 = tpu.vector_load %arg5[%parallel_loop3A_519, %parallel_loop3A_520] {strides = array<i32>} : memref<8x6016xf32, #tpu.memory_space<vmem>>, vector<16xf32>,
      tpu.vector_store %arg5[%parallel_loop3A_519, %parallel_loop3A_520], %gather3A_8 {strides = array<i32>} : memref<8x6016xf32, #tpu.memory_space<vmem>>, vector<16xf32>,
    } {sc.loop_unroll_factor = 8 : i64, sc.parallel_access}
    %sub3A_189 = arith.constant 3963 : i32
    %sub3A_190 = arith.subi %sub3A_189, %sub3A_4 : i32
    %sub3A_191 = arith.constant 4219 : i32
    %sub3A_192 = arith.subi %sub3A_191, %sub3A_4 : i32
    %add3A_193 = arith.constant 1 : i32
    %add3A_194 = arith.addi %sub3A_190, %add3A_193 : i32
    %jit3A_195 = arith.constant 16 : i32
    %div3A_196 = arith.divsi %add3A_194, %jit3A_195 : i32
    %sign3A_197 = arith.constant 0 : i32
    %sign3A_198 = arith.cmpi sgt, %add3A_194, %sign3A_197 : i32
    %sign3A_199 = arith.extui %sign3A_198 : i1 to i32
    %sign3A_200 = arith.constant 0 : i32
    %sign3A_201 = arith.cmpi slt, %add3A_194, %sign3A_200 : i32
    %sign3A_202 = arith.extui %sign3A_201 : i1 to i32
    %sign3A_203 = arith.subi %sign3A_199, %sign3A_202 : i32
    %sign3A_204 = arith.constant 0 : i32
    %sign3A_205 = arith.cmpi sgt, %jit3A_195, %sign3A_204 : i32
    %sign3A_206 = arith.extui %sign3A_205 : i1 to i32
    %sign3A_207 = arith.constant 0 : i32
    %sign3A_208 = arith.cmpi slt, %jit3A_195, %sign3A_207 : i32
    %sign3A_209 = arith.extui %sign3A_208 : i1 to i32
    %sign3A_210 = arith.subi %sign3A_206, %sign3A_209 : i32
    %ne3A_211 = arith.cmpi ne, %sign3A_203, %sign3A_210 : i32
    %rem3A_212 = arith.remsi %add3A_194, %jit3A_195 : i32
    %ne3A_213 = arith.constant 0 : i32
    %ne3A_214 = arith.cmpi ne, %rem3A_212, %ne3A_213 : i32
    %and3A_215 = arith.andi %ne3A_211, %ne3A_214 : i1
    %sub3A_216 = arith.constant 1 : i32
    %sub3A_217 = arith.subi %div3A_196, %sub3A_216 : i32
    %select_n3A_218 = arith.select %and3A_215, %sub3A_217, %div3A_196 : i32
    %add3A_219 = arith.constant 16 : i32
    %add3A_220 = arith.addi %sub3A_192, %add3A_219 : i32
    %sub3A_221 = arith.constant 1 : i32
    %sub3A_222 = arith.subi %add3A_220, %sub3A_221 : i32
    %jit3A_223 = arith.constant 16 : i32
    %div3A_224 = arith.divsi %sub3A_222, %jit3A_223 : i32
    %sign3A_225 = arith.constant 0 : i32
    %sign3A_226 = arith.cmpi sgt, %sub3A_222, %sign3A_225 : i32
    %sign3A_227 = arith.extui %sign3A_226 : i1 to i32
    %sign3A_228 = arith.constant 0 : i32
    %sign3A_229 = arith.cmpi slt, %sub3A_222, %sign3A_228 : i32
    %sign3A_230 = arith.extui %sign3A_229 : i1 to i32
    %sign3A_231 = arith.subi %sign3A_227, %sign3A_230 : i32
    %sign3A_232 = arith.constant 0 : i32
    %sign3A_233 = arith.cmpi sgt, %jit3A_223, %sign3A_232 : i32
    %sign3A_234 = arith.extui %sign3A_233 : i1 to i32
    %sign3A_235 = arith.constant 0 : i32
    %sign3A_236 = arith.cmpi slt, %jit3A_223, %sign3A_235 : i32
    %sign3A_237 = arith.extui %sign3A_236 : i1 to i32
    %sign3A_238 = arith.subi %sign3A_234, %sign3A_237 : i32
    %ne3A_239 = arith.cmpi ne, %sign3A_231, %sign3A_238 : i32
    %rem3A_240 = arith.remsi %sub3A_222, %jit3A_223 : i32
    %ne3A_241 = arith.constant 0 : i32
    %ne3A_242 = arith.cmpi ne, %rem3A_240, %ne3A_241 : i32
    %and3A_243 = arith.andi %ne3A_239, %ne3A_242 : i1
    %sub3A_244 = arith.constant 1 : i32
    %sub3A_245 = arith.subi %div3A_224, %sub3A_244 : i32
    %select_n3A_246 = arith.select %and3A_243, %sub3A_245, %div3A_224 : i32
    %parallel_loop3A_247 = arith.constant 0 : i32
    %parallel_loop3A_248 = arith.constant 1 : i32
    scf.for %parallel_loop3A_515 = %parallel_loop3A_247 to %select_n3A_218 step %parallel_loop3A_248  : i32 {
      %parallel_loop3A_516 = arith.constant 16 : i32
      %parallel_loop3A_517 = arith.muli %parallel_loop3A_515, %parallel_loop3A_516 : i32
      %parallel_loop3A_518 = arith.constant 3 : i32
      %parallel_loop3A_519 = arith.index_cast %parallel_loop3A_518 : i32 to index
      %parallel_loop3A_520 = arith.index_cast %parallel_loop3A_517 : i32 to index
      %parallel_loop3A_521 = tpu.vector_load %arg5[%parallel_loop3A_519, %parallel_loop3A_520] {strides = array<i32>} : memref<8x6016xf32, #tpu.memory_space<vmem>>, vector<16xf32>,
      tpu.vector_store %arg5[%parallel_loop3A_519, %parallel_loop3A_520], %gather3A {strides = array<i32>} : memref<8x6016xf32, #tpu.memory_space<vmem>>, vector<16xf32>,
    } {sc.loop_unroll_factor = 8 : i64, sc.parallel_access}
    %parallel_loop3A_249 = arith.constant 1 : i32
    scf.for %parallel_loop3A_515 = %select_n3A_218 to %select_n3A_246 step %parallel_loop3A_249  : i32 {
      %parallel_loop3A_516 = arith.constant 16 : i32
      %parallel_loop3A_517 = arith.muli %parallel_loop3A_515, %parallel_loop3A_516 : i32
      %parallel_loop3A_518 = arith.addi %parallel_loop3A_517, %sub3A_4 : i32
      %parallel_loop3A_519 = arith.constant 4 : i32
      %parallel_loop3A_520 = arith.addi %parallel_loop3A_518, %parallel_loop3A_519 : i32
      %parallel_loop3A_521 = vector.broadcast %parallel_loop3A_520 : i32 to vector<16xi32>
      %parallel_loop3A_522 = arith.addi %iota3A, %parallel_loop3A_521 : vector<16xi32>
      %parallel_loop3A_523 = arith.constant 4095 : i32
      %parallel_loop3A_524 = vector.broadcast %parallel_loop3A_523 : i32 to vector<16xi32>
      %parallel_loop3A_525 = arith.subi %parallel_loop3A_522, %parallel_loop3A_524 : vector<16xi32>
      %parallel_loop3A_526 = arith.constant -128 : i32
      %parallel_loop3A_527 = arith.constant 128 : i32
      %parallel_loop3A_528 = vector.broadcast %parallel_loop3A_526 : i32 to vector<16xi32>
      %parallel_loop3A_529 = arith.maxsi %parallel_loop3A_528, %parallel_loop3A_525 : vector<16xi32>
      %parallel_loop3A_530 = vector.broadcast %parallel_loop3A_527 : i32 to vector<16xi32>
      %parallel_loop3A_531 = arith.minsi %parallel_loop3A_530, %parallel_loop3A_529 : vector<16xi32>
      %parallel_loop3A_532 = arith.constant 128 : i32
      %parallel_loop3A_533 = vector.broadcast %parallel_loop3A_532 : i32 to vector<16xi32>
      %parallel_loop3A_534 = arith.addi %parallel_loop3A_531, %parallel_loop3A_533 : vector<16xi32>
      %parallel_loop3A_535 = tpu.vector_load_idx %arg4[%parallel_loop3A_534] : memref<272xf32, #tpu.memory_space<vmem>>[vector<16xi32>], vector<16xf32>,
      %parallel_loop3A_536 = arith.constant 3 : i32
      %parallel_loop3A_537 = arith.index_cast %parallel_loop3A_536 : i32 to index
      %parallel_loop3A_538 = arith.index_cast %parallel_loop3A_517 : i32 to index
      %parallel_loop3A_539 = tpu.vector_load %arg5[%parallel_loop3A_537, %parallel_loop3A_538] {strides = array<i32>} : memref<8x6016xf32, #tpu.memory_space<vmem>>, vector<16xf32>,
      tpu.vector_store %arg5[%parallel_loop3A_537, %parallel_loop3A_538], %parallel_loop3A_535 {strides = array<i32>} : memref<8x6016xf32, #tpu.memory_space<vmem>>, vector<16xf32>,
    } {sc.loop_unroll_factor = 1 : i64, sc.parallel_access}
    %parallel_loop3A_250 = arith.constant 376 : i32
    %parallel_loop3A_251 = arith.constant 1 : i32
    scf.for %parallel_loop3A_515 = %select_n3A_246 to %parallel_loop3A_250 step %parallel_loop3A_251  : i32 {
      %parallel_loop3A_516 = arith.constant 16 : i32
      %parallel_loop3A_517 = arith.muli %parallel_loop3A_515, %parallel_loop3A_516 : i32
      %parallel_loop3A_518 = arith.constant 3 : i32
      %parallel_loop3A_519 = arith.index_cast %parallel_loop3A_518 : i32 to index
      %parallel_loop3A_520 = arith.index_cast %parallel_loop3A_517 : i32 to index
      %parallel_loop3A_521 = tpu.vector_load %arg5[%parallel_loop3A_519, %parallel_loop3A_520] {strides = array<i32>} : memref<8x6016xf32, #tpu.memory_space<vmem>>, vector<16xf32>,
      tpu.vector_store %arg5[%parallel_loop3A_519, %parallel_loop3A_520], %gather3A_8 {strides = array<i32>} : memref<8x6016xf32, #tpu.memory_space<vmem>>, vector<16xf32>,
    } {sc.loop_unroll_factor = 8 : i64, sc.parallel_access}
    %sub3A_252 = arith.constant 3964 : i32
    %sub3A_253 = arith.subi %sub3A_252, %sub3A_4 : i32
    %sub3A_254 = arith.constant 4220 : i32
    %sub3A_255 = arith.subi %sub3A_254, %sub3A_4 : i32
    %add3A_256 = arith.constant 1 : i32
    %add3A_257 = arith.addi %sub3A_253, %add3A_256 : i32
    %jit3A_258 = arith.constant 16 : i32
    %div3A_259 = arith.divsi %add3A_257, %jit3A_258 : i32
    %sign3A_260 = arith.constant 0 : i32
    %sign3A_261 = arith.cmpi sgt, %add3A_257, %sign3A_260 : i32
    %sign3A_262 = arith.extui %sign3A_261 : i1 to i32
    %sign3A_263 = arith.constant 0 : i32
    %sign3A_264 = arith.cmpi slt, %add3A_257, %sign3A_263 : i32
    %sign3A_265 = arith.extui %sign3A_264 : i1 to i32
    %sign3A_266 = arith.subi %sign3A_262, %sign3A_265 : i32
    %sign3A_267 = arith.constant 0 : i32
    %sign3A_268 = arith.cmpi sgt, %jit3A_258, %sign3A_267 : i32
    %sign3A_269 = arith.extui %sign3A_268 : i1 to i32
    %sign3A_270 = arith.constant 0 : i32
    %sign3A_271 = arith.cmpi slt, %jit3A_258, %sign3A_270 : i32
    %sign3A_272 = arith.extui %sign3A_271 : i1 to i32
    %sign3A_273 = arith.subi %sign3A_269, %sign3A_272 : i32
    %ne3A_274 = arith.cmpi ne, %sign3A_266, %sign3A_273 : i32
    %rem3A_275 = arith.remsi %add3A_257, %jit3A_258 : i32
    %ne3A_276 = arith.constant 0 : i32
    %ne3A_277 = arith.cmpi ne, %rem3A_275, %ne3A_276 : i32
    %and3A_278 = arith.andi %ne3A_274, %ne3A_277 : i1
    %sub3A_279 = arith.constant 1 : i32
    %sub3A_280 = arith.subi %div3A_259, %sub3A_279 : i32
    %select_n3A_281 = arith.select %and3A_278, %sub3A_280, %div3A_259 : i32
    %add3A_282 = arith.constant 16 : i32
    %add3A_283 = arith.addi %sub3A_255, %add3A_282 : i32
    %sub3A_284 = arith.constant 1 : i32
    %sub3A_285 = arith.subi %add3A_283, %sub3A_284 : i32
    %jit3A_286 = arith.constant 16 : i32
    %div3A_287 = arith.divsi %sub3A_285, %jit3A_286 : i32
    %sign3A_288 = arith.constant 0 : i32
    %sign3A_289 = arith.cmpi sgt, %sub3A_285, %sign3A_288 : i32
    %sign3A_290 = arith.extui %sign3A_289 : i1 to i32
    %sign3A_291 = arith.constant 0 : i32
    %sign3A_292 = arith.cmpi slt, %sub3A_285, %sign3A_291 : i32
    %sign3A_293 = arith.extui %sign3A_292 : i1 to i32
    %sign3A_294 = arith.subi %sign3A_290, %sign3A_293 : i32
    %sign3A_295 = arith.constant 0 : i32
    %sign3A_296 = arith.cmpi sgt, %jit3A_286, %sign3A_295 : i32
    %sign3A_297 = arith.extui %sign3A_296 : i1 to i32
    %sign3A_298 = arith.constant 0 : i32
    %sign3A_299 = arith.cmpi slt, %jit3A_286, %sign3A_298 : i32
    %sign3A_300 = arith.extui %sign3A_299 : i1 to i32
    %sign3A_301 = arith.subi %sign3A_297, %sign3A_300 : i32
    %ne3A_302 = arith.cmpi ne, %sign3A_294, %sign3A_301 : i32
    %rem3A_303 = arith.remsi %sub3A_285, %jit3A_286 : i32
    %ne3A_304 = arith.constant 0 : i32
    %ne3A_305 = arith.cmpi ne, %rem3A_303, %ne3A_304 : i32
    %and3A_306 = arith.andi %ne3A_302, %ne3A_305 : i1
    %sub3A_307 = arith.constant 1 : i32
    %sub3A_308 = arith.subi %div3A_287, %sub3A_307 : i32
    %select_n3A_309 = arith.select %and3A_306, %sub3A_308, %div3A_287 : i32
    %parallel_loop3A_310 = arith.constant 0 : i32
    %parallel_loop3A_311 = arith.constant 1 : i32
    scf.for %parallel_loop3A_515 = %parallel_loop3A_310 to %select_n3A_281 step %parallel_loop3A_311  : i32 {
      %parallel_loop3A_516 = arith.constant 16 : i32
      %parallel_loop3A_517 = arith.muli %parallel_loop3A_515, %parallel_loop3A_516 : i32
      %parallel_loop3A_518 = arith.constant 4 : i32
      %parallel_loop3A_519 = arith.index_cast %parallel_loop3A_518 : i32 to index
      %parallel_loop3A_520 = arith.index_cast %parallel_loop3A_517 : i32 to index
      %parallel_loop3A_521 = tpu.vector_load %arg5[%parallel_loop3A_519, %parallel_loop3A_520] {strides = array<i32>} : memref<8x6016xf32, #tpu.memory_space<vmem>>, vector<16xf32>,
      tpu.vector_store %arg5[%parallel_loop3A_519, %parallel_loop3A_520], %gather3A {strides = array<i32>} : memref<8x6016xf32, #tpu.memory_space<vmem>>, vector<16xf32>,
    } {sc.loop_unroll_factor = 8 : i64, sc.parallel_access}
    %parallel_loop3A_312 = arith.constant 1 : i32
    scf.for %parallel_loop3A_515 = %select_n3A_281 to %select_n3A_309 step %parallel_loop3A_312  : i32 {
      %parallel_loop3A_516 = arith.constant 16 : i32
      %parallel_loop3A_517 = arith.muli %parallel_loop3A_515, %parallel_loop3A_516 : i32
      %parallel_loop3A_518 = arith.addi %parallel_loop3A_517, %sub3A_4 : i32
      %parallel_loop3A_519 = arith.constant 3 : i32
      %parallel_loop3A_520 = arith.addi %parallel_loop3A_518, %parallel_loop3A_519 : i32
      %parallel_loop3A_521 = vector.broadcast %parallel_loop3A_520 : i32 to vector<16xi32>
      %parallel_loop3A_522 = arith.addi %iota3A, %parallel_loop3A_521 : vector<16xi32>
      %parallel_loop3A_523 = arith.constant 4095 : i32
      %parallel_loop3A_524 = vector.broadcast %parallel_loop3A_523 : i32 to vector<16xi32>
      %parallel_loop3A_525 = arith.subi %parallel_loop3A_522, %parallel_loop3A_524 : vector<16xi32>
      %parallel_loop3A_526 = arith.constant -128 : i32
      %parallel_loop3A_527 = arith.constant 128 : i32
      %parallel_loop3A_528 = vector.broadcast %parallel_loop3A_526 : i32 to vector<16xi32>
      %parallel_loop3A_529 = arith.maxsi %parallel_loop3A_528, %parallel_loop3A_525 : vector<16xi32>
      %parallel_loop3A_530 = vector.broadcast %parallel_loop3A_527 : i32 to vector<16xi32>
      %parallel_loop3A_531 = arith.minsi %parallel_loop3A_530, %parallel_loop3A_529 : vector<16xi32>
      %parallel_loop3A_532 = arith.constant 128 : i32
      %parallel_loop3A_533 = vector.broadcast %parallel_loop3A_532 : i32 to vector<16xi32>
      %parallel_loop3A_534 = arith.addi %parallel_loop3A_531, %parallel_loop3A_533 : vector<16xi32>
      %parallel_loop3A_535 = tpu.vector_load_idx %arg4[%parallel_loop3A_534] : memref<272xf32, #tpu.memory_space<vmem>>[vector<16xi32>], vector<16xf32>,
      %parallel_loop3A_536 = arith.constant 4 : i32
      %parallel_loop3A_537 = arith.index_cast %parallel_loop3A_536 : i32 to index
      %parallel_loop3A_538 = arith.index_cast %parallel_loop3A_517 : i32 to index
      %parallel_loop3A_539 = tpu.vector_load %arg5[%parallel_loop3A_537, %parallel_loop3A_538] {strides = array<i32>} : memref<8x6016xf32, #tpu.memory_space<vmem>>, vector<16xf32>,
      tpu.vector_store %arg5[%parallel_loop3A_537, %parallel_loop3A_538], %parallel_loop3A_535 {strides = array<i32>} : memref<8x6016xf32, #tpu.memory_space<vmem>>, vector<16xf32>,
    } {sc.loop_unroll_factor = 1 : i64, sc.parallel_access}
    %parallel_loop3A_313 = arith.constant 376 : i32
    %parallel_loop3A_314 = arith.constant 1 : i32
    scf.for %parallel_loop3A_515 = %select_n3A_309 to %parallel_loop3A_313 step %parallel_loop3A_314  : i32 {
      %parallel_loop3A_516 = arith.constant 16 : i32
      %parallel_loop3A_517 = arith.muli %parallel_loop3A_515, %parallel_loop3A_516 : i32
      %parallel_loop3A_518 = arith.constant 4 : i32
      %parallel_loop3A_519 = arith.index_cast %parallel_loop3A_518 : i32 to index
      %parallel_loop3A_520 = arith.index_cast %parallel_loop3A_517 : i32 to index
      %parallel_loop3A_521 = tpu.vector_load %arg5[%parallel_loop3A_519, %parallel_loop3A_520] {strides = array<i32>} : memref<8x6016xf32, #tpu.memory_space<vmem>>, vector<16xf32>,
      tpu.vector_store %arg5[%parallel_loop3A_519, %parallel_loop3A_520], %gather3A_8 {strides = array<i32>} : memref<8x6016xf32, #tpu.memory_space<vmem>>, vector<16xf32>,
    } {sc.loop_unroll_factor = 8 : i64, sc.parallel_access}
    %sub3A_315 = arith.constant 3965 : i32
    %sub3A_316 = arith.subi %sub3A_315, %sub3A_4 : i32
    %sub3A_317 = arith.constant 4221 : i32
    %sub3A_318 = arith.subi %sub3A_317, %sub3A_4 : i32
    %add3A_319 = arith.constant 1 : i32
    %add3A_320 = arith.addi %sub3A_316, %add3A_319 : i32
    %jit3A_321 = arith.constant 16 : i32
    %div3A_322 = arith.divsi %add3A_320, %jit3A_321 : i32
    %sign3A_323 = arith.constant 0 : i32
    %sign3A_324 = arith.cmpi sgt, %add3A_320, %sign3A_323 : i32
    %sign3A_325 = arith.extui %sign3A_324 : i1 to i32
    %sign3A_326 = arith.constant 0 : i32
    %sign3A_327 = arith.cmpi slt, %add3A_320, %sign3A_326 : i32
    %sign3A_328 = arith.extui %sign3A_327 : i1 to i32
    %sign3A_329 = arith.subi %sign3A_325, %sign3A_328 : i32
    %sign3A_330 = arith.constant 0 : i32
    %sign3A_331 = arith.cmpi sgt, %jit3A_321, %sign3A_330 : i32
    %sign3A_332 = arith.extui %sign3A_331 : i1 to i32
    %sign3A_333 = arith.constant 0 : i32
    %sign3A_334 = arith.cmpi slt, %jit3A_321, %sign3A_333 : i32
    %sign3A_335 = arith.extui %sign3A_334 : i1 to i32
    %sign3A_336 = arith.subi %sign3A_332, %sign3A_335 : i32
    %ne3A_337 = arith.cmpi ne, %sign3A_329, %sign3A_336 : i32
    %rem3A_338 = arith.remsi %add3A_320, %jit3A_321 : i32
    %ne3A_339 = arith.constant 0 : i32
    %ne3A_340 = arith.cmpi ne, %rem3A_338, %ne3A_339 : i32
    %and3A_341 = arith.andi %ne3A_337, %ne3A_340 : i1
    %sub3A_342 = arith.constant 1 : i32
    %sub3A_343 = arith.subi %div3A_322, %sub3A_342 : i32
    %select_n3A_344 = arith.select %and3A_341, %sub3A_343, %div3A_322 : i32
    %add3A_345 = arith.constant 16 : i32
    %add3A_346 = arith.addi %sub3A_318, %add3A_345 : i32
    %sub3A_347 = arith.constant 1 : i32
    %sub3A_348 = arith.subi %add3A_346, %sub3A_347 : i32
    %jit3A_349 = arith.constant 16 : i32
    %div3A_350 = arith.divsi %sub3A_348, %jit3A_349 : i32
    %sign3A_351 = arith.constant 0 : i32
    %sign3A_352 = arith.cmpi sgt, %sub3A_348, %sign3A_351 : i32
    %sign3A_353 = arith.extui %sign3A_352 : i1 to i32
    %sign3A_354 = arith.constant 0 : i32
    %sign3A_355 = arith.cmpi slt, %sub3A_348, %sign3A_354 : i32
    %sign3A_356 = arith.extui %sign3A_355 : i1 to i32
    %sign3A_357 = arith.subi %sign3A_353, %sign3A_356 : i32
    %sign3A_358 = arith.constant 0 : i32
    %sign3A_359 = arith.cmpi sgt, %jit3A_349, %sign3A_358 : i32
    %sign3A_360 = arith.extui %sign3A_359 : i1 to i32
    %sign3A_361 = arith.constant 0 : i32
    %sign3A_362 = arith.cmpi slt, %jit3A_349, %sign3A_361 : i32
    %sign3A_363 = arith.extui %sign3A_362 : i1 to i32
    %sign3A_364 = arith.subi %sign3A_360, %sign3A_363 : i32
    %ne3A_365 = arith.cmpi ne, %sign3A_357, %sign3A_364 : i32
    %rem3A_366 = arith.remsi %sub3A_348, %jit3A_349 : i32
    %ne3A_367 = arith.constant 0 : i32
    %ne3A_368 = arith.cmpi ne, %rem3A_366, %ne3A_367 : i32
    %and3A_369 = arith.andi %ne3A_365, %ne3A_368 : i1
    %sub3A_370 = arith.constant 1 : i32
    %sub3A_371 = arith.subi %div3A_350, %sub3A_370 : i32
    %select_n3A_372 = arith.select %and3A_369, %sub3A_371, %div3A_350 : i32
    %parallel_loop3A_373 = arith.constant 0 : i32
    %parallel_loop3A_374 = arith.constant 1 : i32
    scf.for %parallel_loop3A_515 = %parallel_loop3A_373 to %select_n3A_344 step %parallel_loop3A_374  : i32 {
      %parallel_loop3A_516 = arith.constant 16 : i32
      %parallel_loop3A_517 = arith.muli %parallel_loop3A_515, %parallel_loop3A_516 : i32
      %parallel_loop3A_518 = arith.constant 5 : i32
      %parallel_loop3A_519 = arith.index_cast %parallel_loop3A_518 : i32 to index
      %parallel_loop3A_520 = arith.index_cast %parallel_loop3A_517 : i32 to index
      %parallel_loop3A_521 = tpu.vector_load %arg5[%parallel_loop3A_519, %parallel_loop3A_520] {strides = array<i32>} : memref<8x6016xf32, #tpu.memory_space<vmem>>, vector<16xf32>,
      tpu.vector_store %arg5[%parallel_loop3A_519, %parallel_loop3A_520], %gather3A {strides = array<i32>} : memref<8x6016xf32, #tpu.memory_space<vmem>>, vector<16xf32>,
    } {sc.loop_unroll_factor = 8 : i64, sc.parallel_access}
    %parallel_loop3A_375 = arith.constant 1 : i32
    scf.for %parallel_loop3A_515 = %select_n3A_344 to %select_n3A_372 step %parallel_loop3A_375  : i32 {
      %parallel_loop3A_516 = arith.constant 16 : i32
      %parallel_loop3A_517 = arith.muli %parallel_loop3A_515, %parallel_loop3A_516 : i32
      %parallel_loop3A_518 = arith.addi %parallel_loop3A_517, %sub3A_4 : i32
      %parallel_loop3A_519 = arith.constant 2 : i32
      %parallel_loop3A_520 = arith.addi %parallel_loop3A_518, %parallel_loop3A_519 : i32
      %parallel_loop3A_521 = vector.broadcast %parallel_loop3A_520 : i32 to vector<16xi32>
      %parallel_loop3A_522 = arith.addi %iota3A, %parallel_loop3A_521 : vector<16xi32>
      %parallel_loop3A_523 = arith.constant 4095 : i32
      %parallel_loop3A_524 = vector.broadcast %parallel_loop3A_523 : i32 to vector<16xi32>
      %parallel_loop3A_525 = arith.subi %parallel_loop3A_522, %parallel_loop3A_524 : vector<16xi32>
      %parallel_loop3A_526 = arith.constant -128 : i32
      %parallel_loop3A_527 = arith.constant 128 : i32
      %parallel_loop3A_528 = vector.broadcast %parallel_loop3A_526 : i32 to vector<16xi32>
      %parallel_loop3A_529 = arith.maxsi %parallel_loop3A_528, %parallel_loop3A_525 : vector<16xi32>
      %parallel_loop3A_530 = vector.broadcast %parallel_loop3A_527 : i32 to vector<16xi32>
      %parallel_loop3A_531 = arith.minsi %parallel_loop3A_530, %parallel_loop3A_529 : vector<16xi32>
      %parallel_loop3A_532 = arith.constant 128 : i32
      %parallel_loop3A_533 = vector.broadcast %parallel_loop3A_532 : i32 to vector<16xi32>
      %parallel_loop3A_534 = arith.addi %parallel_loop3A_531, %parallel_loop3A_533 : vector<16xi32>
      %parallel_loop3A_535 = tpu.vector_load_idx %arg4[%parallel_loop3A_534] : memref<272xf32, #tpu.memory_space<vmem>>[vector<16xi32>], vector<16xf32>,
      %parallel_loop3A_536 = arith.constant 5 : i32
      %parallel_loop3A_537 = arith.index_cast %parallel_loop3A_536 : i32 to index
      %parallel_loop3A_538 = arith.index_cast %parallel_loop3A_517 : i32 to index
      %parallel_loop3A_539 = tpu.vector_load %arg5[%parallel_loop3A_537, %parallel_loop3A_538] {strides = array<i32>} : memref<8x6016xf32, #tpu.memory_space<vmem>>, vector<16xf32>,
      tpu.vector_store %arg5[%parallel_loop3A_537, %parallel_loop3A_538], %parallel_loop3A_535 {strides = array<i32>} : memref<8x6016xf32, #tpu.memory_space<vmem>>, vector<16xf32>,
    } {sc.loop_unroll_factor = 1 : i64, sc.parallel_access}
    %parallel_loop3A_376 = arith.constant 376 : i32
    %parallel_loop3A_377 = arith.constant 1 : i32
    scf.for %parallel_loop3A_515 = %select_n3A_372 to %parallel_loop3A_376 step %parallel_loop3A_377  : i32 {
      %parallel_loop3A_516 = arith.constant 16 : i32
      %parallel_loop3A_517 = arith.muli %parallel_loop3A_515, %parallel_loop3A_516 : i32
      %parallel_loop3A_518 = arith.constant 5 : i32
      %parallel_loop3A_519 = arith.index_cast %parallel_loop3A_518 : i32 to index
      %parallel_loop3A_520 = arith.index_cast %parallel_loop3A_517 : i32 to index
      %parallel_loop3A_521 = tpu.vector_load %arg5[%parallel_loop3A_519, %parallel_loop3A_520] {strides = array<i32>} : memref<8x6016xf32, #tpu.memory_space<vmem>>, vector<16xf32>,
      tpu.vector_store %arg5[%parallel_loop3A_519, %parallel_loop3A_520], %gather3A_8 {strides = array<i32>} : memref<8x6016xf32, #tpu.memory_space<vmem>>, vector<16xf32>,
    } {sc.loop_unroll_factor = 8 : i64, sc.parallel_access}
    %sub3A_378 = arith.constant 3966 : i32
    %sub3A_379 = arith.subi %sub3A_378, %sub3A_4 : i32
    %sub3A_380 = arith.constant 4222 : i32
    %sub3A_381 = arith.subi %sub3A_380, %sub3A_4 : i32
    %add3A_382 = arith.constant 1 : i32
    %add3A_383 = arith.addi %sub3A_379, %add3A_382 : i32
    %jit3A_384 = arith.constant 16 : i32
    %div3A_385 = arith.divsi %add3A_383, %jit3A_384 : i32
    %sign3A_386 = arith.constant 0 : i32
    %sign3A_387 = arith.cmpi sgt, %add3A_383, %sign3A_386 : i32
    %sign3A_388 = arith.extui %sign3A_387 : i1 to i32
    %sign3A_389 = arith.constant 0 : i32
    %sign3A_390 = arith.cmpi slt, %add3A_383, %sign3A_389 : i32
    %sign3A_391 = arith.extui %sign3A_390 : i1 to i32
    %sign3A_392 = arith.subi %sign3A_388, %sign3A_391 : i32
    %sign3A_393 = arith.constant 0 : i32
    %sign3A_394 = arith.cmpi sgt, %jit3A_384, %sign3A_393 : i32
    %sign3A_395 = arith.extui %sign3A_394 : i1 to i32
    %sign3A_396 = arith.constant 0 : i32
    %sign3A_397 = arith.cmpi slt, %jit3A_384, %sign3A_396 : i32
    %sign3A_398 = arith.extui %sign3A_397 : i1 to i32
    %sign3A_399 = arith.subi %sign3A_395, %sign3A_398 : i32
    %ne3A_400 = arith.cmpi ne, %sign3A_392, %sign3A_399 : i32
    %rem3A_401 = arith.remsi %add3A_383, %jit3A_384 : i32
    %ne3A_402 = arith.constant 0 : i32
    %ne3A_403 = arith.cmpi ne, %rem3A_401, %ne3A_402 : i32
    %and3A_404 = arith.andi %ne3A_400, %ne3A_403 : i1
    %sub3A_405 = arith.constant 1 : i32
    %sub3A_406 = arith.subi %div3A_385, %sub3A_405 : i32
    %select_n3A_407 = arith.select %and3A_404, %sub3A_406, %div3A_385 : i32
    %add3A_408 = arith.constant 16 : i32
    %add3A_409 = arith.addi %sub3A_381, %add3A_408 : i32
    %sub3A_410 = arith.constant 1 : i32
    %sub3A_411 = arith.subi %add3A_409, %sub3A_410 : i32
    %jit3A_412 = arith.constant 16 : i32
    %div3A_413 = arith.divsi %sub3A_411, %jit3A_412 : i32
    %sign3A_414 = arith.constant 0 : i32
    %sign3A_415 = arith.cmpi sgt, %sub3A_411, %sign3A_414 : i32
    %sign3A_416 = arith.extui %sign3A_415 : i1 to i32
    %sign3A_417 = arith.constant 0 : i32
    %sign3A_418 = arith.cmpi slt, %sub3A_411, %sign3A_417 : i32
    %sign3A_419 = arith.extui %sign3A_418 : i1 to i32
    %sign3A_420 = arith.subi %sign3A_416, %sign3A_419 : i32
    %sign3A_421 = arith.constant 0 : i32
    %sign3A_422 = arith.cmpi sgt, %jit3A_412, %sign3A_421 : i32
    %sign3A_423 = arith.extui %sign3A_422 : i1 to i32
    %sign3A_424 = arith.constant 0 : i32
    %sign3A_425 = arith.cmpi slt, %jit3A_412, %sign3A_424 : i32
    %sign3A_426 = arith.extui %sign3A_425 : i1 to i32
    %sign3A_427 = arith.subi %sign3A_423, %sign3A_426 : i32
    %ne3A_428 = arith.cmpi ne, %sign3A_420, %sign3A_427 : i32
    %rem3A_429 = arith.remsi %sub3A_411, %jit3A_412 : i32
    %ne3A_430 = arith.constant 0 : i32
    %ne3A_431 = arith.cmpi ne, %rem3A_429, %ne3A_430 : i32
    %and3A_432 = arith.andi %ne3A_428, %ne3A_431 : i1
    %sub3A_433 = arith.constant 1 : i32
    %sub3A_434 = arith.subi %div3A_413, %sub3A_433 : i32
    %select_n3A_435 = arith.select %and3A_432, %sub3A_434, %div3A_413 : i32
    %parallel_loop3A_436 = arith.constant 0 : i32
    %parallel_loop3A_437 = arith.constant 1 : i32
    scf.for %parallel_loop3A_515 = %parallel_loop3A_436 to %select_n3A_407 step %parallel_loop3A_437  : i32 {
      %parallel_loop3A_516 = arith.constant 16 : i32
      %parallel_loop3A_517 = arith.muli %parallel_loop3A_515, %parallel_loop3A_516 : i32
      %parallel_loop3A_518 = arith.constant 6 : i32
      %parallel_loop3A_519 = arith.index_cast %parallel_loop3A_518 : i32 to index
      %parallel_loop3A_520 = arith.index_cast %parallel_loop3A_517 : i32 to index
      %parallel_loop3A_521 = tpu.vector_load %arg5[%parallel_loop3A_519, %parallel_loop3A_520] {strides = array<i32>} : memref<8x6016xf32, #tpu.memory_space<vmem>>, vector<16xf32>,
      tpu.vector_store %arg5[%parallel_loop3A_519, %parallel_loop3A_520], %gather3A {strides = array<i32>} : memref<8x6016xf32, #tpu.memory_space<vmem>>, vector<16xf32>,
    } {sc.loop_unroll_factor = 8 : i64, sc.parallel_access}
    %parallel_loop3A_438 = arith.constant 1 : i32
    scf.for %parallel_loop3A_515 = %select_n3A_407 to %select_n3A_435 step %parallel_loop3A_438  : i32 {
      %parallel_loop3A_516 = arith.constant 16 : i32
      %parallel_loop3A_517 = arith.muli %parallel_loop3A_515, %parallel_loop3A_516 : i32
      %parallel_loop3A_518 = arith.addi %parallel_loop3A_517, %sub3A_4 : i32
      %parallel_loop3A_519 = arith.constant 1 : i32
      %parallel_loop3A_520 = arith.addi %parallel_loop3A_518, %parallel_loop3A_519 : i32
      %parallel_loop3A_521 = vector.broadcast %parallel_loop3A_520 : i32 to vector<16xi32>
      %parallel_loop3A_522 = arith.addi %iota3A, %parallel_loop3A_521 : vector<16xi32>
      %parallel_loop3A_523 = arith.constant 4095 : i32
      %parallel_loop3A_524 = vector.broadcast %parallel_loop3A_523 : i32 to vector<16xi32>
      %parallel_loop3A_525 = arith.subi %parallel_loop3A_522, %parallel_loop3A_524 : vector<16xi32>
      %parallel_loop3A_526 = arith.constant -128 : i32
      %parallel_loop3A_527 = arith.constant 128 : i32
      %parallel_loop3A_528 = vector.broadcast %parallel_loop3A_526 : i32 to vector<16xi32>
      %parallel_loop3A_529 = arith.maxsi %parallel_loop3A_528, %parallel_loop3A_525 : vector<16xi32>
      %parallel_loop3A_530 = vector.broadcast %parallel_loop3A_527 : i32 to vector<16xi32>
      %parallel_loop3A_531 = arith.minsi %parallel_loop3A_530, %parallel_loop3A_529 : vector<16xi32>
      %parallel_loop3A_532 = arith.constant 128 : i32
      %parallel_loop3A_533 = vector.broadcast %parallel_loop3A_532 : i32 to vector<16xi32>
      %parallel_loop3A_534 = arith.addi %parallel_loop3A_531, %parallel_loop3A_533 : vector<16xi32>
      %parallel_loop3A_535 = tpu.vector_load_idx %arg4[%parallel_loop3A_534] : memref<272xf32, #tpu.memory_space<vmem>>[vector<16xi32>], vector<16xf32>,
      %parallel_loop3A_536 = arith.constant 6 : i32
      %parallel_loop3A_537 = arith.index_cast %parallel_loop3A_536 : i32 to index
      %parallel_loop3A_538 = arith.index_cast %parallel_loop3A_517 : i32 to index
      %parallel_loop3A_539 = tpu.vector_load %arg5[%parallel_loop3A_537, %parallel_loop3A_538] {strides = array<i32>} : memref<8x6016xf32, #tpu.memory_space<vmem>>, vector<16xf32>,
      tpu.vector_store %arg5[%parallel_loop3A_537, %parallel_loop3A_538], %parallel_loop3A_535 {strides = array<i32>} : memref<8x6016xf32, #tpu.memory_space<vmem>>, vector<16xf32>,
    } {sc.loop_unroll_factor = 1 : i64, sc.parallel_access}
    %parallel_loop3A_439 = arith.constant 376 : i32
    %parallel_loop3A_440 = arith.constant 1 : i32
    scf.for %parallel_loop3A_515 = %select_n3A_435 to %parallel_loop3A_439 step %parallel_loop3A_440  : i32 {
      %parallel_loop3A_516 = arith.constant 16 : i32
      %parallel_loop3A_517 = arith.muli %parallel_loop3A_515, %parallel_loop3A_516 : i32
      %parallel_loop3A_518 = arith.constant 6 : i32
      %parallel_loop3A_519 = arith.index_cast %parallel_loop3A_518 : i32 to index
      %parallel_loop3A_520 = arith.index_cast %parallel_loop3A_517 : i32 to index
      %parallel_loop3A_521 = tpu.vector_load %arg5[%parallel_loop3A_519, %parallel_loop3A_520] {strides = array<i32>} : memref<8x6016xf32, #tpu.memory_space<vmem>>, vector<16xf32>,
      tpu.vector_store %arg5[%parallel_loop3A_519, %parallel_loop3A_520], %gather3A_8 {strides = array<i32>} : memref<8x6016xf32, #tpu.memory_space<vmem>>, vector<16xf32>,
    } {sc.loop_unroll_factor = 8 : i64, sc.parallel_access}
    %sub3A_441 = arith.constant 3967 : i32
    %sub3A_442 = arith.subi %sub3A_441, %sub3A_4 : i32
    %sub3A_443 = arith.constant 4223 : i32
    %sub3A_444 = arith.subi %sub3A_443, %sub3A_4 : i32
    %add3A_445 = arith.constant 1 : i32
    %add3A_446 = arith.addi %sub3A_442, %add3A_445 : i32
    %jit3A_447 = arith.constant 16 : i32
    %div3A_448 = arith.divsi %add3A_446, %jit3A_447 : i32
    %sign3A_449 = arith.constant 0 : i32
    %sign3A_450 = arith.cmpi sgt, %add3A_446, %sign3A_449 : i32
    %sign3A_451 = arith.extui %sign3A_450 : i1 to i32
    %sign3A_452 = arith.constant 0 : i32
    %sign3A_453 = arith.cmpi slt, %add3A_446, %sign3A_452 : i32
    %sign3A_454 = arith.extui %sign3A_453 : i1 to i32
    %sign3A_455 = arith.subi %sign3A_451, %sign3A_454 : i32
    %sign3A_456 = arith.constant 0 : i32
    %sign3A_457 = arith.cmpi sgt, %jit3A_447, %sign3A_456 : i32
    %sign3A_458 = arith.extui %sign3A_457 : i1 to i32
    %sign3A_459 = arith.constant 0 : i32
    %sign3A_460 = arith.cmpi slt, %jit3A_447, %sign3A_459 : i32
    %sign3A_461 = arith.extui %sign3A_460 : i1 to i32
    %sign3A_462 = arith.subi %sign3A_458, %sign3A_461 : i32
    %ne3A_463 = arith.cmpi ne, %sign3A_455, %sign3A_462 : i32
    %rem3A_464 = arith.remsi %add3A_446, %jit3A_447 : i32
    %ne3A_465 = arith.constant 0 : i32
    %ne3A_466 = arith.cmpi ne, %rem3A_464, %ne3A_465 : i32
    %and3A_467 = arith.andi %ne3A_463, %ne3A_466 : i1
    %sub3A_468 = arith.constant 1 : i32
    %sub3A_469 = arith.subi %div3A_448, %sub3A_468 : i32
    %select_n3A_470 = arith.select %and3A_467, %sub3A_469, %div3A_448 : i32
    %add3A_471 = arith.constant 16 : i32
    %add3A_472 = arith.addi %sub3A_444, %add3A_471 : i32
    %sub3A_473 = arith.constant 1 : i32
    %sub3A_474 = arith.subi %add3A_472, %sub3A_473 : i32
    %jit3A_475 = arith.constant 16 : i32
    %div3A_476 = arith.divsi %sub3A_474, %jit3A_475 : i32
    %sign3A_477 = arith.constant 0 : i32
    %sign3A_478 = arith.cmpi sgt, %sub3A_474, %sign3A_477 : i32
    %sign3A_479 = arith.extui %sign3A_478 : i1 to i32
    %sign3A_480 = arith.constant 0 : i32
    %sign3A_481 = arith.cmpi slt, %sub3A_474, %sign3A_480 : i32
    %sign3A_482 = arith.extui %sign3A_481 : i1 to i32
    %sign3A_483 = arith.subi %sign3A_479, %sign3A_482 : i32
    %sign3A_484 = arith.constant 0 : i32
    %sign3A_485 = arith.cmpi sgt, %jit3A_475, %sign3A_484 : i32
    %sign3A_486 = arith.extui %sign3A_485 : i1 to i32
    %sign3A_487 = arith.constant 0 : i32
    %sign3A_488 = arith.cmpi slt, %jit3A_475, %sign3A_487 : i32
    %sign3A_489 = arith.extui %sign3A_488 : i1 to i32
    %sign3A_490 = arith.subi %sign3A_486, %sign3A_489 : i32
    %ne3A_491 = arith.cmpi ne, %sign3A_483, %sign3A_490 : i32
    %rem3A_492 = arith.remsi %sub3A_474, %jit3A_475 : i32
    %ne3A_493 = arith.constant 0 : i32
    %ne3A_494 = arith.cmpi ne, %rem3A_492, %ne3A_493 : i32
    %and3A_495 = arith.andi %ne3A_491, %ne3A_494 : i1
    %sub3A_496 = arith.constant 1 : i32
    %sub3A_497 = arith.subi %div3A_476, %sub3A_496 : i32
    %select_n3A_498 = arith.select %and3A_495, %sub3A_497, %div3A_476 : i32
    %parallel_loop3A_499 = arith.constant 0 : i32
    %parallel_loop3A_500 = arith.constant 1 : i32
    scf.for %parallel_loop3A_515 = %parallel_loop3A_499 to %select_n3A_470 step %parallel_loop3A_500  : i32 {
      %parallel_loop3A_516 = arith.constant 16 : i32
      %parallel_loop3A_517 = arith.muli %parallel_loop3A_515, %parallel_loop3A_516 : i32
      %parallel_loop3A_518 = arith.constant 7 : i32
      %parallel_loop3A_519 = arith.index_cast %parallel_loop3A_518 : i32 to index
      %parallel_loop3A_520 = arith.index_cast %parallel_loop3A_517 : i32 to index
      %parallel_loop3A_521 = tpu.vector_load %arg5[%parallel_loop3A_519, %parallel_loop3A_520] {strides = array<i32>} : memref<8x6016xf32, #tpu.memory_space<vmem>>, vector<16xf32>,
      tpu.vector_store %arg5[%parallel_loop3A_519, %parallel_loop3A_520], %gather3A {strides = array<i32>} : memref<8x6016xf32, #tpu.memory_space<vmem>>, vector<16xf32>,
    } {sc.loop_unroll_factor = 8 : i64, sc.parallel_access}
    %parallel_loop3A_501 = arith.constant 1 : i32
    scf.for %parallel_loop3A_515 = %select_n3A_470 to %select_n3A_498 step %parallel_loop3A_501  : i32 {
      %parallel_loop3A_516 = arith.constant 16 : i32
      %parallel_loop3A_517 = arith.muli %parallel_loop3A_515, %parallel_loop3A_516 : i32
      %parallel_loop3A_518 = arith.addi %parallel_loop3A_517, %sub3A_4 : i32
      %parallel_loop3A_519 = arith.constant 0 : i32
      %parallel_loop3A_520 = arith.addi %parallel_loop3A_518, %parallel_loop3A_519 : i32
      %parallel_loop3A_521 = vector.broadcast %parallel_loop3A_520 : i32 to vector<16xi32>
      %parallel_loop3A_522 = arith.addi %iota3A, %parallel_loop3A_521 : vector<16xi32>
      %parallel_loop3A_523 = arith.constant 4095 : i32
      %parallel_loop3A_524 = vector.broadcast %parallel_loop3A_523 : i32 to vector<16xi32>
      %parallel_loop3A_525 = arith.subi %parallel_loop3A_522, %parallel_loop3A_524 : vector<16xi32>
      %parallel_loop3A_526 = arith.constant -128 : i32
      %parallel_loop3A_527 = arith.constant 128 : i32
      %parallel_loop3A_528 = vector.broadcast %parallel_loop3A_526 : i32 to vector<16xi32>
      %parallel_loop3A_529 = arith.maxsi %parallel_loop3A_528, %parallel_loop3A_525 : vector<16xi32>
      %parallel_loop3A_530 = vector.broadcast %parallel_loop3A_527 : i32 to vector<16xi32>
      %parallel_loop3A_531 = arith.minsi %parallel_loop3A_530, %parallel_loop3A_529 : vector<16xi32>
      %parallel_loop3A_532 = arith.constant 128 : i32
      %parallel_loop3A_533 = vector.broadcast %parallel_loop3A_532 : i32 to vector<16xi32>
      %parallel_loop3A_534 = arith.addi %parallel_loop3A_531, %parallel_loop3A_533 : vector<16xi32>
      %parallel_loop3A_535 = tpu.vector_load_idx %arg4[%parallel_loop3A_534] : memref<272xf32, #tpu.memory_space<vmem>>[vector<16xi32>], vector<16xf32>,
      %parallel_loop3A_536 = arith.constant 7 : i32
      %parallel_loop3A_537 = arith.index_cast %parallel_loop3A_536 : i32 to index
      %parallel_loop3A_538 = arith.index_cast %parallel_loop3A_517 : i32 to index
      %parallel_loop3A_539 = tpu.vector_load %arg5[%parallel_loop3A_537, %parallel_loop3A_538] {strides = array<i32>} : memref<8x6016xf32, #tpu.memory_space<vmem>>, vector<16xf32>,
      tpu.vector_store %arg5[%parallel_loop3A_537, %parallel_loop3A_538], %parallel_loop3A_535 {strides = array<i32>} : memref<8x6016xf32, #tpu.memory_space<vmem>>, vector<16xf32>,
    } {sc.loop_unroll_factor = 1 : i64, sc.parallel_access}
    %parallel_loop3A_502 = arith.constant 376 : i32
    %parallel_loop3A_503 = arith.constant 1 : i32
    scf.for %parallel_loop3A_515 = %select_n3A_498 to %parallel_loop3A_502 step %parallel_loop3A_503  : i32 {
      %parallel_loop3A_516 = arith.constant 16 : i32
      %parallel_loop3A_517 = arith.muli %parallel_loop3A_515, %parallel_loop3A_516 : i32
      %parallel_loop3A_518 = arith.constant 7 : i32
      %parallel_loop3A_519 = arith.index_cast %parallel_loop3A_518 : i32 to index
      %parallel_loop3A_520 = arith.index_cast %parallel_loop3A_517 : i32 to index
      %parallel_loop3A_521 = tpu.vector_load %arg5[%parallel_loop3A_519, %parallel_loop3A_520] {strides = array<i32>} : memref<8x6016xf32, #tpu.memory_space<vmem>>, vector<16xf32>,
      tpu.vector_store %arg5[%parallel_loop3A_519, %parallel_loop3A_520], %gather3A_8 {strides = array<i32>} : memref<8x6016xf32, #tpu.memory_space<vmem>>, vector<16xf32>,
    } {sc.loop_unroll_factor = 8 : i64, sc.parallel_access}
    %scan3A = arith.constant 0 : i32
    %scan3A_504 = arith.constant 0 : i32
    %scan3A_505 = arith.constant 16 : i32
    %scan3A_506 = arith.addi %scan3A_504, %scan3A_505 : i32
    %scan3A_507 = arith.constant 1 : i32
    scf.for %scan3A_515 = %scan3A_504 to %scan3A_506 step %scan3A_507  : i32 {
      %sub3A_516 = arith.constant 15 : i32
      %sub3A_517 = arith.subi %sub3A_516, %scan3A_515 : i32
      %mul3A_518 = arith.constant 128 : i32
      %mul3A_519 = arith.muli %mul3A_518, %sub3A_517 : i32
      %mul3A_520 = arith.constant 2048 : i32
      %mul3A_521 = arith.muli %mul3A_520, %arg0 : i32
      %mul3A_522 = arith.constant 8 : i32
      %mul3A_523 = arith.muli %mul3A_522, %arg1 : i32
      %add3A_524 = arith.addi %mul3A_521, %mul3A_523 : i32
      %mul3A_525 = arith.constant 128 : i32
      %mul3A_526 = arith.muli %mul3A_525, %scan3A_515 : i32
      %add3A_527 = arith.addi %add3A_524, %mul3A_526 : i32
      %dma_start3A = arith.constant 0 : i32
      %dma_start3A_528 = tpu.memref_slice %arg5[%dma_start3A, %mul3A_519] : memref<8x6016xf32, #tpu.memory_space<vmem>> -> memref<8x4096xf32, #tpu.memory_space<vmem>>
      %dma_start3A_529 = arith.constant 0 : i32
      %dma_start3A_530 = tpu.memref_slice %arg3[%add3A_527, %dma_start3A_529] : memref<4096x4096xf32, #tpu.memory_space<hbm>> -> memref<8x4096xf32, #tpu.memory_space<hbm>>
      %dma_start3A_531 = arith.constant 0 : i32
      %dma_start3A_532 = tpu.memref_slice %arg3[%add3A_527, %dma_start3A_531] : memref<4096x4096xf32, #tpu.memory_space<hbm>> -> memref<8x4096xf32, #tpu.memory_space<hbm>>
      %dma_start3A_533 = arith.constant 0 : i32
      %dma_start3A_534 = tpu.memref_slice %arg5[%dma_start3A_533, %mul3A_519] : memref<8x6016xf32, #tpu.memory_space<vmem>> -> memref<8x4096xf32, #tpu.memory_space<vmem>>
      tpu.enqueue_dma source(%dma_start3A_534 : memref<8x4096xf32, #tpu.memory_space<vmem>>) target(%dma_start3A_532 : memref<8x4096xf32, #tpu.memory_space<hbm>>) target_semaphore(%arg6 : memref<!tpu.dma_semaphore, #tpu.memory_space<semaphore_mem>>)
    }
    %scan3A_508 = arith.constant 16 : i32
    %scan3A_509 = arith.constant 0 : i32
    %scan3A_510 = arith.constant 0 : i32
    %scan3A_511 = arith.constant 16 : i32
    %scan3A_512 = arith.addi %scan3A_510, %scan3A_511 : i32
    %scan3A_513 = arith.constant 1 : i32
    scf.for %scan3A_515 = %scan3A_510 to %scan3A_512 step %scan3A_513  : i32 {
      %dma_wait3A = arith.constant 0 : i32
      %dma_wait3A_516 = arith.constant 0 : i32
      %dma_wait3A_517 = tpu.memref_slice %arg5[%dma_wait3A, %dma_wait3A_516] : memref<8x6016xf32, #tpu.memory_space<vmem>> -> memref<8x4096xf32, #tpu.memory_space<vmem>>
      %dma_wait3A_518 = arith.constant 0 : i32
      %dma_wait3A_519 = arith.constant 0 : i32
      %dma_wait3A_520 = tpu.memref_slice %arg3[%dma_wait3A_518, %dma_wait3A_519] : memref<4096x4096xf32, #tpu.memory_space<hbm>> -> memref<8x4096xf32, #tpu.memory_space<hbm>>
      %dma_wait3A_521 = arith.constant 0 : i32
      %dma_wait3A_522 = arith.constant 0 : i32
      %dma_wait3A_523 = tpu.memref_slice %arg3[%dma_wait3A_521, %dma_wait3A_522] : memref<4096x4096xf32, #tpu.memory_space<hbm>> -> memref<8x4096xf32, #tpu.memory_space<hbm>>
      %dma_wait3A_524 = arith.constant 0 : i32
      %dma_wait3A_525 = arith.constant 0 : i32
      %dma_wait3A_526 = tpu.memref_slice %arg5[%dma_wait3A_524, %dma_wait3A_525] : memref<8x6016xf32, #tpu.memory_space<vmem>> -> memref<8x4096xf32, #tpu.memory_space<vmem>>
      tpu.wait_dma2 semaphore(%arg6 : memref<!tpu.dma_semaphore, #tpu.memory_space<semaphore_mem>>) src(%dma_wait3A_526 : memref<8x4096xf32, #tpu.memory_space<vmem>>) dst(%dma_wait3A_523 : memref<8x4096xf32, #tpu.memory_space<hbm>>)
    }
    %scan3A_514 = arith.constant 16 : i32
    return
  }
}

</mosaic_0001>

<sc_bundles>
// kernel: kernel.3.cloned.1.call-start
scs
__scs_entry_jumppad:
0x0: {  	(pc) =	sbr.rel $0x88, $3  }
0x1: {  	(tag) =	ssettag $0x0;
	lr =	simm.s32 $0x1  }
0x2: {  	[smem:$0x3FA0] =	sst lr;
	_ =	strace $0xD0000000  }
0x3: {  	_ = 	snop  }
0x4: {  	_ = 	snop  }
0x5: {  	_ = 	snop  }
0x6: {  	_ = 	snop  }
0x7: {  	_ = 	snop  }
__scs_overlays_trampoline_lowered:
0x8: {  	[smem:$0x3FAF] =	sst s0  }
0x9: {  	[smem:$0x3FB0] =	sst s1  }
0xa: {  	[smem:$0x3FB1] =	sst s2  }
0xb: {  	[smem:$0x3FB2] =	sst s3  }
0xc: {  	[smem:$0x3FB3] =	sst s4  }
0xd: {  	[smem:$0x3FB4] =	sst s5  }
0xe: {  	[smem:$0x3FB5] =	sst s6  }
0xf: {  	[smem:$0x3FB6] =	sst s7  }
0x10: {  	[smem:$0x3FB7] =	sst s8  }
0x11: {  	[smem:$0x3FB8] =	sst s9;
	s0 =	simm.s32 @!p0 $0x0  }
0x12: {  	s1 =	sld [smem:$0x3F9E];
	s0 =	simm.s32 @p0 $0x1  }
0x13: {  	[smem:$0x3FB9] =	sst s0;
	s0 =	simm.s32 @!p1 $0x0  }
0x14: {  	s2 =	sld [smem:$0x3F9D];
	s0 =	simm.s32 @p1 $0x1  }
0x15: {  	[smem:$0x3FBA] =	sst s0;
	s0 =	simm.s32 @!p2 $0x0  }
0x16: {  	s3 =	sld [smem:$0x3FDB];
	s0 =	simm.s32 @p2 $0x1  }
0x17: {  	s4 =	simm.s32 $0x1BF5;
	[smem:$0x3FBC] =	sst s0  }
0x18: {  	s0 =	sld [smem:$0x3F9F];
	_ =	swait.ge [sflag:s4], $0x0  }
0x19: {  	s7 =	sld [smem:$0x3FA0]  }
0x1a: {  	s8 =	sadd.s32 $0xFFFFE003, lr  }
0x1b: {  	s9 =	sadd.s32 $0xFFFFFEF7, lr;
	s5 =	simm.s32 $0xFFFFFFFF;
	p2 =	slt.u32 s8, $0xFFFFF086  }
0x1c: {  	p1 =	slt.u32 s9, $0xF7A;
	s5 =	simm.s32 @!p2 $0x0  }
0x1d: {  	s5 =	simm.s32 @p1 $0x1;
	p0 =	seq.s32 s7, s2  }
0x1e: {  	s7 =	smul.u32 @!p0 $0xF7A, s2;
	p2 =	seq.s32 @!p0 s5, $0x0  }
0x1f: {  	s9 =	smul.u32 $0xF7A, s1;
	s8 =	simm.s32 @!p0 $0x1BF5;
	p2 =	por !p2, p0  }
0x20: {  	[sflag:s8] =	ssyncset.s32 @!p0 $0xFFFFF086;
	s6 =	sadd.s32 @!p0 s3, s7;
	s7 =	simm.s32 @!p0 $0x108  }
0x21: {  	s3 =	sadd.s32 s3, s9;
	s6 =	sadd.s32 @!p0 $0x88, s6;
	s7 =	simm.s32 @p2 $0x1082  }
0x22: {  	[simem:s7], [sflag:s8] =	dma.local @!p0 [hbm:s6], $0xF7A  }
0x23: {  	s9 =	sor.u32 $0xD0000000, s2;
	s6 =	simm.s32 $0x108;
	_ =	swait.ge @!p0 [sflag:s8], $0x0  }
0x24: {  	s3 =	sadd.s32 $0x88, s3;
	s6 =	simm.s32 @!p1 $0x1082;
	[sflag:s4] =	ssyncset.s32 $0xFFFFF086  }
0x25: {  	[simem:s6], [sflag:s4] =	dma.local [hbm:s3], $0xF7A  }
0x26: {  	[smem:$0x3FA0] =	sst s1;
	(tag) =	ssettag s2;
	_ =	strace s9  }
0x27: {  	s1 =	sld [smem:$0x3FB0]  }
0x28: {  	s2 =	sld [smem:$0x3FB1]  }
0x29: {  	s4 =	sld [smem:$0x3FB3]  }
0x2a: {  	p0 =	seq.s32 s5, $0x0;
	s5 =	sld [smem:$0x3FB4]  }
0x2b: {  	s6 =	sld [smem:$0x3FB5]  }
0x2c: {  	s7 =	sld [smem:$0x3FB6]  }
0x2d: {  	s3 =	simm.s32 $0x108;
	s8 =	sld [smem:$0x3FB7]  }
0x2e: {  	s3 =	simm.s32 @!p0 $0x1082;
	s9 =	sld [smem:$0x3FB8]  }
0x2f: {  	lr =	sadd.s32 s0, s3;
	s0 =	sld [smem:$0x3FAF]  }
0x30: {  	s3 =	sld [smem:$0x3FB2]  }
0x31: {  	[smem:$0x3FBB] =	sst s10  }
0x32: {  	s10 =	sld [smem:$0x3FB9];
	_ =	sdelay $0x3  }
0x33: {  	p0 =	seq.s32 s10, $0x1;
	s10 =	sld [smem:$0x3FBB];
	_ =	sdelay $0x3  }
0x34: {  	[smem:$0x3FBB] =	sst s10  }
0x35: {  	s10 =	sld [smem:$0x3FBA];
	_ =	sdelay $0x3  }
0x36: {  	p1 =	seq.s32 s10, $0x1;
	s10 =	sld [smem:$0x3FBB];
	_ =	sdelay $0x3  }
0x37: {  	[smem:$0x3FBB] =	sst s10  }
0x38: {  	s10 =	sld [smem:$0x3FBC]  }
0x39: {  	_ = 	snop;
	(pc) =	sbr.ind lr, $3  }
0x3a: {  	_ = 	snop  }
0x3b: {  	_ = 	snop  }
0x3c: {  	p2 =	seq.s32 s10, $0x1;
	s10 =	sld [smem:$0x3FBB]  }
0x3d: {  	_ =	shalt  }
0x3e: {  	_ =	shalt  }
0x3f: {  	_ =	shalt  }
0x40: {  	_ =	shalt  }
0x41: {  	_ =	shalt  }
0x42: {  	_ =	shalt  }
0x43: {  	_ =	shalt  }
0x44: {  	_ =	shalt  }
0x45: {  	_ =	shalt  }
0x46: {  	_ =	shalt  }
0x47: {  	_ =	shalt  }
0x48: {  	_ =	shalt  }
0x49: {  	_ =	shalt  }
0x4a: {  	_ =	shalt  }
0x4b: {  	_ =	shalt  }
0x4c: {  	_ =	shalt  }
0x4d: {  	_ =	shalt  }
0x4e: {  	_ =	shalt  }
0x4f: {  	_ =	shalt  }
0x50: {  	_ =	shalt  }
0x51: {  	_ =	shalt  }
0x52: {  	_ =	shalt  }
0x53: {  	_ =	shalt  }
0x54: {  	_ =	shalt  }
0x55: {  	_ =	shalt  }
0x56: {  	_ =	shalt  }
0x57: {  	_ =	shalt  }
0x58: {  	_ =	shalt  }
0x59: {  	_ =	shalt  }
0x5a: {  	_ =	shalt  }
0x5b: {  	_ =	shalt  }
0x5c: {  	_ =	shalt  }
0x5d: {  	_ =	shalt  }
0x5e: {  	_ =	shalt  }
0x5f: {  	_ =	shalt  }
0x60: {  	_ =	shalt  }
0x61: {  	_ =	shalt  }
0x62: {  	_ =	shalt  }
0x63: {  	_ =	shalt  }
0x64: {  	_ =	shalt  }
0x65: {  	_ =	shalt  }
0x66: {  	_ =	shalt  }
0x67: {  	_ =	shalt  }
0x68: {  	_ =	shalt  }
0x69: {  	_ =	shalt  }
0x6a: {  	_ =	shalt  }
0x6b: {  	_ =	shalt  }
0x6c: {  	_ =	shalt  }
0x6d: {  	_ =	shalt  }
0x6e: {  	_ =	shalt  }
0x6f: {  	_ =	shalt  }
0x70: {  	_ =	shalt  }
0x71: {  	_ =	shalt  }
0x72: {  	_ =	shalt  }
0x73: {  	_ =	shalt  }
0x74: {  	_ =	shalt  }
0x75: {  	_ =	shalt  }
0x76: {  	_ =	shalt  }
0x77: {  	_ =	shalt  }
0x78: {  	_ =	shalt  }
0x79: {  	_ =	shalt  }
0x7a: {  	_ =	shalt  }
0x7b: {  	_ =	shalt  }
0x7c: {  	_ =	shalt  }
0x7d: {  	_ =	shalt  }
0x7e: {  	_ =	shalt  }
0x7f: {  	_ =	shalt  }
0x80: {  	_ =	shalt  }
0x81: {  	_ =	shalt  }
0x82: {  	_ =	shalt  }
0x83: {  	_ =	shalt  }
0x84: {  	_ =	shalt  }
0x85: {  	_ =	shalt  }
0x86: {  	_ =	shalt  }
0x87: {  	_ =	shalt  }
.Lfunc_end0:
.L_simem_size_0:
called_computation_lowered:
.L_overlay_start_0:
0x88: {  	s2 =	sld [smem:$0x3FD9]  }
0x89: {  	s3 =	sld [smem:$0x3FFE];
	_ =	sdelay $0x1  }
0x8a: {  	s1 =	srdreg.scid  }
0x8b: {  	s0 =	sand.u32 $0x1, s1  }
0x8c: {  	s17 =	sshll.u32 s0, $0xA;
	s2 =	sadd.s32 s3, s2  }
0x8d: {  	s2 =	sadd.s32 s2, s17  }
0x8e: {  	[smem:$0x3FC7] =	sst s2  }
0x8f: {  	_ = 	snop  }
0x90: {  	s2 =	sld [smem:$0x3FD0];
	(tm) =	ssettm $0x1  }
0x91: {  	s18 =	sld [smem:$0x3FFB];
	_ =	sdelay $0x3  }
0x92: {  	_ =	strace s18  }
0x93: {  	s3 =	sld [smem:$0x3FFC];
	_ =	sdelay $0x3  }
0x94: {  	_ =	strace s3  }
0x95: {  	s3 =	sld [smem:$0x3FFD];
	_ =	sdelay $0x3  }
0x96: {  	_ =	strace s3  }
0x97: {  	_ =	strace $0x8FFFFFFF  }
0x98: {  	s19 =	sld [smem:$0x3FDB];
	_ =	sdelay $0x1  }
0x99: {  	s4 =	simm.s32 $_scs_section_size  }
0x9a: {  	s5 =	simm.s32 $_size__tile_overlayer_lowered;
	s6 =	simm.s32 $_tile_overlayer_lowered  }
0x9b: {  	s22 =	simm.s32 $0x1BFF;
	s21 =	sshll.u32 s6, $0x1;
	s3 =	sadd.s32 s4, s19  }
0x9c: {  	s7 =	simm.s32 $0x0;
	s20 =	sshll.u32 s5, $0x1;
	s5 =	sadd.s32 s21, s3  }
0x9d: {  	[timem:s7], [sflag:s22] =	dma.local [hbm:s5], s20  }
0x9e: {  	_ =	swait.ge [sflag:s22], s20  }
0x9f: {  	s4 =	ssub.s32 $0x0, s20;
	[sflag:s22] =	ssyncset.done $0x0  }
0xa0: {  	[sflag:s22] =	ssyncadd.s32 s4;
	_ =	sdelay $0x1  }
0xa1: {  	s23 =	simm.s32 $0x1B8B  }
0xa2: {  	_ =	swait.ge [sflag:s23], $0x1  }
0xa3: {  	[sflag:s23] =	ssyncset.done $0x0  }
0xa4: {  	s25 =	simm.s32 $0x1B8E;
	s24 =	sld [smem:$0x3FFE];
	[sflag:s23] =	ssyncadd.s32 $0xFFFFFFFF  }
0xa5: {  	s26 =	simm.s32 $execute0_lowered;
	[smem:$0x3FD2] =	sst s25  }
0xa6: {  	s5 =	sshll.u32 s26, $0x1;
	_ =	strace $0x80000046;
	[dreg:$0x1] =	wrdreg $0xFFFFFFFF  }
0xa7: {  	s28 =	simm.s32 $_size_execute0_lowered;
	s3 =	sadd.s32 s3, s5;
	[dreg:$0x0] =	wrdreg $0x0  }
0xa8: {  	s5 =	sshll.u32 s28, $0x1;
	[dreg:$0x2] =	wrdreg s3  }
0xa9: {  	[dreg:$0x3] =	wrdreg s5  }
0xaa: {  	[dreg:$0x4] =	wrdreg $0xC0  }
0xab: {  	_ =	task [dreg:s7], $0x5FFFF  }
0xac: {  	[dreg:$0x1] =	wrdreg $0xFFFFFFFF  }
0xad: {  	[dreg:$0x0] =	wrdreg $0x60  }
0xae: {  	[dreg:$0x2] =	wrdreg s24  }
0xaf: {  	[dreg:$0x3] =	wrdreg s2  }
0xb0: {  	[dreg:$0x4] =	wrdreg $0x9  }
0xb1: {  	_ =	task.clear_ibuf [dreg:s7], $0x5FFFF;
	_ =	strace $0x90000046  }
0xb2: {  	s29 =	simm.s32 $0x9;
	_ =	strace $0x80000048  }
0xb3: {  	_ =	swait.ge [sflag:s29], $0x1  }
0xb4: {  	[sflag:s29] =	ssyncadd.s32 $0xFFFFFFFF  }
0xb5: {  	_ =	strace $0x90000048  }
0xb6: {  	_ =	sfence  }
0xb7: {  	s30 =	sld [smem:$0x0];
	_ =	sdelay $0x2  }
0xb8: {  	s31 =	sshll.u32 s1, $0xD;
	s1 =	sshrl.u32 s1, $0x2  }
0xb9: {  	s3 =	sand.u32 $0x4000, s31;
	s1 =	sadd.s32 s1, s30  }
0xba: {  	s0 =	sor.u32 s3, s0;
	s1 =	sshll.u32 s1, $0x11  }
0xbb: {  	s0 =	sor.u32 s1, s0  }
0xbc: {  	s0 =	sadd.s32 $0x8F2B, s0  }
0xbd: {  	[sflag:s0] =	ssyncadd.remote.s32 $0x1  }
0xbe: {  	_ =	sfence.sel $0xFFFF  }
0xbf: {  	[dreg:$0x0] =	wrdreg $0xFFFFFFFF;
	(pc) =	sbr.abs _section_cstart, $3  }
0xc0: {  	[dreg:$0x1] =	wrdreg $0xFFFFFFFF  }
0xc1: {  	_ =	task.clear_ibuf [dreg:s7], $0x2FFFF;
	_ =	strace $0x9FFFFFFF  }
0xc2: {  	(tm) =	ssettm $0x7FFFFFFF  }
0xc3: {  	_ =	shalt  }
tec
execute0_lowered:
.L_overlay_start_1:
0x0: {  	(tag) =	ssettag $0x1  }
0x1: {  	s0 =	srdreg.scid;
	s19 =	stileid.u32  }
0x2: {  	s8 =	sand.u32 $0x1, s0;
	s18 =	sshll.u32 s19, $0x3  }
0x3: {  	s19 =	sshll.u32 s19, $0xC;
	s10 =	sshll.u32 s8, $0xB;
	s2 =	ssub.s32 $0x2, s8  }
0x4: {  	s8 =	sshll.u32 s8, $0x14;
	s0 =	sor.u32 s18, s10;
	s4 =	sshrl.u32 s2, $0x1  }
0x5: {  	s3 =	sadd.s32 $0x808, s0;
	s13 =	ssub.s32 s2, s4;
	s4 =	sadd.s32 $0x810, s0  }
0x6: {  	s1 =	sshrl.u32 s3, $0x4;
	s20 =	sshll.u32 s3, $0x5;
	s2 =	sshrl.u32 s4, $0x4  }
0x7: {  	s3 =	sand.u32 $0x18F0, s3;
	s13 =	smax.u32 s13, $0x1;
	s15 =	ssub.s32 $0x178, s1  }
0x8: {  	s5 =	sshll.u32 s1, $0x6;
	s6 =	sand.u32 $0x31000, s20;
	s9 =	sshll.u32 s1, $0x9  }
0x9: {  	s7 =	sand.u32 $0x1C0, s5;
	s21 =	sadd.s32 $0xFFC, s9;
	s11 =	sadd.s32 $0x1C0, s5  }
0xa: {  	s12 =	sadd.s32 $0xC00, s9;
	s23 =	sadd.s32 $0x180, s5;
	s24 =	sadd.s32 $0xA00, s9  }
0xb: {  	s14 =	sadd.s32 $0x140, s5;
	s16 =	sadd.s32 $0x600, s9;
	s18 =	sadd.s32 $0xC0, s5  }
0xc: {  	s20 =	sadd.s32 $0x400, s9;
	s6 =	sor.u32 s7, s6;
	s7 =	sshll.u32 s1, $0x7  }
0xd: {  	s11 =	sand.u32 $0x1C0, s11;
	s22 =	sand.u32 $0xFFFFF000, s12;
	s25 =	sand.u32 $0xFFFFF000, s24  }
0xe: {  	s26 =	sand.u32 $0x1C0, s14;
	s12 =	sadd.s32 $0x800, s9;
	s14 =	sadd.s32 $0x100, s5  }
0xf: {  	s17 =	sand.u32 $0xFFFFF000, s16;
	s9 =	sadd.s32 $0x200, s9;
	s24 =	sshrl.u32 s15, $0x3  }
0x10: {  	[dreg:$0x1a] =	wrdreg s6;
	s6 =	sand.u32 $0xFFFFF000, s21;
	s21 =	sadd.s32 $0x80, s5  }
0x11: {  	s5 =	sadd.s32 $0x40, s5;
	s9 =	sand.u32 $0xFFFFF000, s9;
	s6 =	sor.u32 s11, s6  }
0x12: {  	s11 =	sand.u32 $0x1C0, s23;
	s23 =	sand.u32 $0x1C0, s21;
	s5 =	sand.u32 $0x1C0, s5  }
0x13: {  	s21 =	sadd.s32 $0x6, s2;
	[dreg:$0x1b] =	wrdreg s6;
	s6 =	sor.u32 s11, s22  }
0x14: {  	s11 =	sand.u32 $0x1C0, s14;
	s22 =	sand.u32 $0xFFFFF000, s20;
	s5 =	sor.u32 s5, s9  }
0x15: {  	s9 =	sand.u32 $0x18F0, s4;
	[dreg:$0x1c] =	wrdreg s6;
	s6 =	sor.u32 s26, s25  }
0x16: {  	s25 =	sshll.u32 s24, $0xA;
	[smem:$0x7CB] =	sst s5;
	s20 =	sadd.s32 $0x50, s9  }
0x17: {  	[dreg:$0x1d] =	wrdreg s6;
	s6 =	sand.u32 $0xFFFFF000, s12;
	s26 =	sadd.s32 s7, s25  }
0x18: {  	s7 =	sshll.u32 s4, $0x5;
	s12 =	sadd.s32 $0x70, s9;
	s6 =	sor.u32 s11, s6  }
0x19: {  	s11 =	sand.u32 $0x1C0, s18;
	[dreg:$0x3] =	wrdreg s26;
	s5 =	sshrl.u32 s12, $0x4  }
0x1a: {  	[dreg:$0x1e] =	wrdreg s6;
	s6 =	sor.u32 s11, s17;
	s11 =	sand.u32 $0x31000, s7  }
0x1b: {  	s29 =	sand.u32 $0x7, s5;
	[dreg:$0x1f] =	wrdreg s6;
	s6 =	sor.u32 s23, s22  }
0x1c: {  	s7 =	sand.u32 $0x7, s21;
	[smem:$0x7CC] =	sst s6;
	s6 =	sshll.u32 s24, $0x7  }
0x1d: {  	s5 =	sshll.u32 s29, $0x6;
	s23 =	sshll.u32 s7, $0x6;
	s3 =	sadd.s32 s3, s6  }
0x1e: {  	s6 =	sshll.u32 s2, $0x9;
	[dreg:$0x4] =	wrdreg s3;
	s3 =	sand.u32 $0x7, s2  }
0x1f: {  	s16 =	sadd.s32 $0xFFC, s6;
	s18 =	sadd.s32 $0xC00, s6;
	s22 =	sadd.s32 $0xA00, s6  }
0x20: {  	s21 =	sadd.s32 $0x600, s6;
	s14 =	sshll.u32 s3, $0x6;
	s17 =	sand.u32 $0xFFFFF000, s16  }
0x21: {  	s4 =	sand.u32 $0xFFFFF000, s18;
	s18 =	sadd.s32 $0x30, s9;
	s25 =	sor.u32 s14, s11  }
0x22: {  	s16 =	sor.u32 s5, s17;
	s5 =	sshrl.u32 s20, $0x4;
	s26 =	sor.u32 s23, s4  }
0x23: {  	s11 =	sadd.s32 $0x4, s2;
	s14 =	sadd.s32 $0x800, s6;
	s12 =	sand.u32 $0x7, s5  }
0x24: {  	s5 =	sand.u32 $0xFFFFF000, s22;
	s17 =	sand.u32 $0x7, s11;
	s4 =	sand.u32 $0xFFFFF000, s14  }
0x25: {  	s14 =	sadd.s32 $0x10, s9;
	s24 =	sshll.u32 s12, $0x6;
	s20 =	sshll.u32 s17, $0x6  }
0x26: {  	s23 =	sor.u32 s24, s5;
	s5 =	sshrl.u32 s18, $0x4;
	s28 =	sor.u32 s20, s4  }
0x27: {  	s24 =	sadd.s32 $0x400, s6;
	s6 =	sadd.s32 $0x200, s6;
	s4 =	sand.u32 $0x7, s5  }
0x28: {  	s18 =	sadd.s32 $0x2, s2;
	s5 =	sand.u32 $0xFFFFF000, s21;
	s22 =	sshll.u32 s4, $0x6  }
0x29: {  	s11 =	sand.u32 $0xFFFFF000, s24;
	s31 =	sor.u32 s22, s5;
	s5 =	sshrl.u32 s14, $0x4  }
0x2a: {  	s20 =	sand.u32 $0xFFFFF000, s6;
	s22 =	sand.u32 $0x7, s18;
	s21 =	sand.u32 $0x7, s5  }
0x2b: {  	s14 =	ssub.s32 $0x178, s2;
	s5 =	simm.s32 $0x0;
	s18 =	sshll.u32 s21, $0x6  }
0x2c: {  	s24 =	sshll.u32 s22, $0x6;
	s30 =	sor.u32 s18, s20;
	s18 =	sshrl.u32 s14, $0x3  }
0x2d: {  	s6 =	sor.u32 s24, s11;
	s20 =	rddreg [dreg:$0x1];
	s24 =	sshll.u32 s18, $0x7  }
0x2e: {  	[smem:$0x7FF] =	sst s5;
	s8 =	sadd.s32 s8, s20;
	s20 =	sadd.s32 s9, s24  }
0x2f: {  	s8 =	sadd.s32 s19, s8;
	s19 =	sand.u32 $0x1F8, s15;
	s24 =	sand.u32 $0x1F8, s14  }
0x30: {  	[dreg:$0x5] =	wrdreg s8;
	s8 =	sshrl.u32 s10, $0x8;
	s10 =	sadd.s32 s1, s19  }
0x31: {  	s11 =	sadd.s32 s2, s24;
	s19 =	sshrl.u32 s0, $0x4;
	_ =	strace $0x80000047  }
0x32: {  	s8 =	sor.u32 $0x7, s8;
	[dreg:$0x6] =	wrdreg s13;
	s13 =	sand.u32 $0xFFFFFFF8, s15  }
0x33: {  	s15 =	sor.u32 $0x70, s19;
	s9 =	sshll.u32 s19, $0x7;
	s19 =	sand.u32 $0xFFFFFFF8, s14  }
0x34: {  	s14 =	sshll.u32 s18, $0xA;
	s24 =	sshll.u32 s8, $0xB;
	s8 =	sshll.u32 s8, $0x8  }
0x35: {  	s9 =	sor.u32 $0x3800, s9;
	[dreg:$0x7] =	wrdreg s8;
	s8 =	sadd.s32 s13, s1  }
0x36: {  	[dreg:$0x8] =	wrdreg s9;
	s9 =	sadd.s32 s19, s2;
	s19 =	sshll.u32 s2, $0x7  }
0x37: {  	s13 =	sand.u32 $0x870, s0;
	s8 =	sadd.s32 $0xFFFFFFFF, s8;
	[dreg:$0xa] =	wrdreg s19  }
0x38: {  	s18 =	sadd.s32 $0xFFFFFFFF, s9;
	s9 =	sadd.s32 s19, s14;
	[dreg:$0x9] =	wrdreg s8  }
0x39: {  	s14 =	sadd.s32 $0xF7F, s13;
	[dreg:$0xc] =	wrdreg s9  }
0x3a: {  	s19 =	sadd.s32 $0xF7E, s13;
	[dreg:$0xd] =	wrdreg s14  }
0x3b: {  	[dreg:$0xe] =	wrdreg s19;
	s9 =	sadd.s32 $0xF7D, s13  }
0x3c: {  	s14 =	sadd.s32 $0xF7C, s13;
	[dreg:$0xf] =	wrdreg s9  }
0x3d: {  	s19 =	sadd.s32 $0xF7B, s13;
	[dreg:$0x10] =	wrdreg s14  }
0x3e: {  	[dreg:$0x11] =	wrdreg s19;
	s9 =	sadd.s32 $0xF7A, s13  }
0x3f: {  	s14 =	sadd.s32 $0xF79, s13;
	[dreg:$0x12] =	wrdreg s9  }
0x40: {  	s19 =	sor.u32 $0x200, s25;
	[dreg:$0x13] =	wrdreg s14  }
0x41: {  	s13 =	sor.u32 $0x600, s25;
	[smem:$0x7CE] =	sst s19  }
0x42: {  	s9 =	sor.u32 $0x400, s25;
	[smem:$0x7DC] =	sst s13  }
0x43: {  	s14 =	sor.u32 $0x800, s25;
	[smem:$0x7D4] =	sst s9  }
0x44: {  	s19 =	sor.u32 $0xA00, s25;
	[smem:$0x7E4] =	sst s14  }
0x45: {  	s25 =	sor.u32 $0xC00, s25;
	[smem:$0x7EC] =	sst s19  }
0x46: {  	s13 =	sor.u32 $0x400, s16;
	[smem:$0x7F4] =	sst s25  }
0x47: {  	s9 =	sor.u32 $0x200, s16;
	[smem:$0x7DB] =	sst s13  }
0x48: {  	s14 =	sor.u32 $0x600, s16;
	[smem:$0x7D3] =	sst s9  }
0x49: {  	s19 =	sor.u32 $0x800, s16;
	[smem:$0x7E3] =	sst s14  }
0x4a: {  	s25 =	sor.u32 $0xA00, s16;
	[smem:$0x7EB] =	sst s19  }
0x4b: {  	s13 =	sor.u32 $0x200, s26;
	[smem:$0x7F3] =	sst s25  }
0x4c: {  	s9 =	sor.u32 $0xC00, s16;
	[smem:$0x7D2] =	sst s13  }
0x4d: {  	s14 =	sor.u32 $0x400, s26;
	[smem:$0x7FB] =	sst s9  }
0x4e: {  	s16 =	sor.u32 $0x600, s26;
	[smem:$0x7DA] =	sst s14  }
0x4f: {  	s19 =	sor.u32 $0x800, s26;
	[smem:$0x7E2] =	sst s16  }
0x50: {  	s25 =	sor.u32 $0xA00, s26;
	[smem:$0x7EA] =	sst s19  }
0x51: {  	s13 =	sor.u32 $0x200, s23;
	[smem:$0x7F2] =	sst s25  }
0x52: {  	s9 =	sor.u32 $0xC00, s26;
	[smem:$0x7D1] =	sst s13  }
0x53: {  	s14 =	sor.u32 $0x400, s23;
	[smem:$0x7FA] =	sst s9  }
0x54: {  	s16 =	sor.u32 $0x600, s23;
	[smem:$0x7D9] =	sst s14  }
0x55: {  	s19 =	sor.u32 $0x800, s23;
	[smem:$0x7E1] =	sst s16  }
0x56: {  	s25 =	sor.u32 $0xA00, s23;
	[smem:$0x7E9] =	sst s19  }
0x57: {  	s26 =	sor.u32 $0xC00, s23;
	[smem:$0x7F1] =	sst s25  }
0x58: {  	s13 =	sor.u32 $0x400, s28;
	[smem:$0x7F9] =	sst s26  }
0x59: {  	s23 =	sor.u32 $0xC00, s28;
	[smem:$0x7D8] =	sst s13  }
0x5a: {  	s9 =	sor.u32 $0x200, s28;
	[smem:$0x7F8] =	sst s23  }
0x5b: {  	s14 =	sor.u32 $0x600, s28;
	[smem:$0x7D0] =	sst s9  }
0x5c: {  	s16 =	sor.u32 $0x800, s28;
	[smem:$0x7E0] =	sst s14  }
0x5d: {  	s19 =	sor.u32 $0xA00, s28;
	[smem:$0x7E8] =	sst s16  }
0x5e: {  	s25 =	sor.u32 $0x200, s31;
	[smem:$0x7F0] =	sst s19  }
0x5f: {  	s26 =	sor.u32 $0x400, s31;
	[smem:$0x7CF] =	sst s25  }
0x60: {  	s13 =	sor.u32 $0x800, s31;
	[smem:$0x7D7] =	sst s26  }
0x61: {  	s23 =	sor.u32 $0x600, s6;
	[smem:$0x7E7] =	sst s13  }
0x62: {  	s9 =	sor.u32 $0x600, s31;
	[smem:$0x7DE] =	sst s23  }
0x63: {  	s14 =	sor.u32 $0xA00, s31;
	[smem:$0x7DF] =	sst s9  }
0x64: {  	s16 =	sor.u32 $0xC00, s31;
	[smem:$0x7EF] =	sst s14  }
0x65: {  	s19 =	sor.u32 $0x400, s6;
	[smem:$0x7F7] =	sst s16  }
0x66: {  	s25 =	sor.u32 $0x800, s6;
	[smem:$0x7D6] =	sst s19  }
0x67: {  	s26 =	sor.u32 $0xA00, s6;
	[smem:$0x7E6] =	sst s25  }
0x68: {  	s28 =	sor.u32 $0x200, s6;
	s6 =	sor.u32 $0xC00, s6;
	[smem:$0x7EE] =	sst s26  }
0x69: {  	s13 =	sor.u32 $0x600, s30;
	[smem:$0x7F6] =	sst s6  }
0x6a: {  	s23 =	sor.u32 $0xA00, s30;
	[smem:$0x7DD] =	sst s13  }
0x6b: {  	[smem:$0x7ED] =	sst s23  }
0x6c: {  	p1 =	sge.u32 s15, s1;
	s9 =	sor.u32 $0x400, s30;
	s23 =	rddreg [dreg:$0x1a]  }
0x6d: {  	s14 =	sadd.s32 $0x708, s0;
	s16 =	sor.u32 $0x800, s30;
	[smem:$0x7D5] =	sst s9  }
0x6e: {  	s25 =	sor.u32 $0xC00, s30;
	s13 =	sshll.u32 s7, $0x4;
	[smem:$0x7E5] =	sst s16  }
0x6f: {  	s7 =	sshll.u32 s3, $0x4;
	s19 =	sshll.u32 s14, $0x3;
	[smem:$0x7F5] =	sst s25  }
0x70: {  	s8 =	sand.u32 $0xFF0, s14;
	s9 =	sshll.u32 s29, $0x4;
	s25 =	sld [smem:$0x7CB]  }
0x71: {  	s3 =	sor.u32 $0x300, s13;
	s16 =	sshll.u32 s17, $0x4;
	s13 =	rddreg [dreg:$0x1f]  }
0x72: {  	s17 =	sshll.u32 s4, $0x4;
	s6 =	sand.u32 $0x7C00, s19;
	[dreg:$0x16] =	wrdreg s8  }
0x73: {  	s29 =	sor.u32 $0x380, s9;
	s8 =	simm.s32 @!p1 $0x0;
	s9 =	sld [smem:$0x7CC]  }
0x74: {  	[dreg:$0x14] =	wrdreg s6;
	s6 =	sshrl.u32 s14, $0x4;
	s14 =	sshll.u32 s12, $0x4  }
0x75: {  	s12 =	sor.u32 $0x200, s16;
	s8 =	simm.s32 @p1 $0x1;
	s16 =	rddreg [dreg:$0x1e]  }
0x76: {  	s19 =	sshll.u32 s22, $0x4;
	s22 =	sshll.u32 s21, $0x4;
	[smem:$0x7CA] =	sst s8  }
0x77: {  	s4 =	sor.u32 $0x280, s14;
	s14 =	sshrl.u32 s23, $0x2;
	s23 =	rddreg [dreg:$0x1d]  }
0x78: {  	s21 =	sor.u32 $0x100, s19;
	s19 =	sshra.s32 s25, $0x2;
	s25 =	rddreg [dreg:$0x1c]  }
0x79: {  	[dreg:$0x15] =	wrdreg s6  }
0x7a: {  	s8 =	sshra.s32 s9, $0x2;
	s9 =	sshra.s32 s13, $0x2;
	s13 =	sshra.s32 s16, $0x2  }
0x7b: {  	s16 =	sshra.s32 s23, $0x2;
	s23 =	sshra.s32 s25, $0x2;
	s25 =	rddreg [dreg:$0x1b]  }
0x7c: {  	s26 =	sor.u32 $0x200, s30;
	p1 =	slt.u32 s10, $0x178;
	v1 =	vmov s19;
	s19 =	sld [smem:$0x7CE]  }
0x7d: {  	v0 =	vmov s14;
	s14 =	simm.s32 @!p1 $0x0;
	v2 =	vmov s8;
	s8 =	sshra.s32 s26, $0x2;
	s26 =	sld [smem:$0x7CF]  }
0x7e: {  	v3 =	vmov s9;
	s9 =	sshra.s32 s28, $0x2;
	s28 =	smov.u32 s18;
	s18 =	sld [smem:$0x7D0]  }
0x7f: {  	s14 =	simm.s32 @p1 $0x1;
	v6 =	vmov s23;
	s23 =	sld [smem:$0x7D2]  }
0x80: {  	s25 =	sshra.s32 s25, $0x2;
	[smem:$0x7CD] =	sst s14  }
0x81: {  	v7 =	vmov s25;
	s25 =	sld [smem:$0x7D3]  }
0x82: {  	[dreg:$0xb] =	wrdreg s28  }
0x83: {  	s14 =	sshrl.u32 s19, $0x2;
	s19 =	sld [smem:$0x7D1]  }
0x84: {  	v4 =	vmov s13;
	s13 =	sshra.s32 s26, $0x2;
	s26 =	sld [smem:$0x7D4]  }
0x85: {  	v8 =	vmov s14;
	s14 =	sld [smem:$0x7D5]  }
0x86: {  	v5 =	vmov s16;
	s16 =	sshra.s32 s18, $0x2;
	s18 =	sld [smem:$0x7D7]  }
0x87: {  	s23 =	sshra.s32 s23, $0x2;
	v12 =	vmov s16;
	s16 =	sld [smem:$0x7D6]  }
0x88: {  	v14 =	vmov s23;
	s23 =	sld [smem:$0x7D9]  }
0x89: {  	v9 =	vmov s8;
	s8 =	sshra.s32 s25, $0x2;
	s25 =	sld [smem:$0x7DA];
	s19 =	sshra.s32 s19, $0x2  }
0x8a: {  	v10 =	vmov s9;
	v11 =	vmov s13;
	s9 =	sshrl.u32 s26, $0x2;
	v13 =	vmov s19;
	s13 =	sshra.s32 s14, $0x2;
	s19 =	sld [smem:$0x7D8]  }
0x8b: {  	s14 =	sshra.s32 s16, $0x2;
	s16 =	sshra.s32 s18, $0x2;
	s18 =	sld [smem:$0x7DD]  }
0x8c: {  	v16 =	vmov s9;
	s9 =	sshra.s32 s23, $0x2;
	s23 =	sld [smem:$0x7DF]  }
0x8d: {  	s26 =	sshra.s32 s25, $0x2;
	s25 =	sld [smem:$0x7E0]  }
0x8e: {  	v18 =	vmov s14;
	s14 =	sld [smem:$0x7DB]  }
0x8f: {  	v19 =	vmov s16;
	s16 =	sld [smem:$0x7DC]  }
0x90: {  	v15 =	vmov s8;
	s8 =	sshra.s32 s19, $0x2;
	s19 =	sld [smem:$0x7DE]  }
0x91: {  	v21 =	vmov s9;
	s9 =	sshra.s32 s23, $0x2;
	s23 =	sld [smem:$0x7E5]  }
0x92: {  	v17 =	vmov s13;
	v22 =	vmov s26;
	s26 =	sshra.s32 s25, $0x2;
	s25 =	sld [smem:$0x7E6];
	s13 =	sshra.s32 s14, $0x2  }
0x93: {  	s14 =	sshrl.u32 s16, $0x2;
	s16 =	sshra.s32 s18, $0x2;
	s18 =	sld [smem:$0x7E3]  }
0x94: {  	v24 =	vmov s14;
	s14 =	sld [smem:$0x7E1]  }
0x95: {  	v25 =	vmov s16;
	s16 =	sld [smem:$0x7E2]  }
0x96: {  	v20 =	vmov s8;
	s8 =	sshra.s32 s19, $0x2;
	s19 =	sld [smem:$0x7E4]  }
0x97: {  	v27 =	vmov s9;
	s9 =	sshra.s32 s23, $0x2;
	s23 =	sld [smem:$0x7EB]  }
0x98: {  	v28 =	vmov s26;
	v23 =	vmov s13;
	s26 =	sshra.s32 s25, $0x2;
	s25 =	sld [smem:$0x7EC];
	s13 =	sshra.s32 s14, $0x2  }
0x99: {  	s14 =	sshra.s32 s16, $0x2;
	s16 =	sshra.s32 s18, $0x2;
	s18 =	sld [smem:$0x7E9]  }
0x9a: {  	v26 =	vmov s8;
	s8 =	sshrl.u32 s19, $0x2;
	s19 =	sld [smem:$0x7EA]  }
0x9b: {  	v30 =	vmov s14;
	s14 =	sld [smem:$0x7E7]  }
0x9c: {  	v31 =	vmov s16;
	s16 =	sld [smem:$0x7E8]  }
0x9d: {  	p4 =	slt.u32 s11, $0x178;
	v33 =	vmov s9;
	s9 =	sshra.s32 s23, $0x2;
	s23 =	sld [smem:$0x7F1]  }
0x9e: {  	p3 =	sge.u32 s15, s2;
	v34 =	vmov s26;
	s26 =	sshrl.u32 s25, $0x2;
	s25 =	sld [smem:$0x7F2]  }
0x9f: {  	v29 =	vmov s13;
	v32 =	vmov s8;
	s8 =	sshra.s32 s19, $0x2;
	s19 =	sld [smem:$0x7F0];
	s13 =	sshra.s32 s14, $0x2  }
0xa0: {  	s14 =	sshra.s32 s16, $0x2;
	s16 =	sshra.s32 s18, $0x2;
	s18 =	sld [smem:$0x7EF]  }
0xa1: {  	s31 =	sxor.u32 $0x878, s0;
	v39 =	vmov s9;
	s9 =	sshra.s32 s23, $0x2;
	s23 =	sld [smem:$0x7F7]  }
0xa2: {  	s30 =	ssub.s32 $0x0, s0;
	s0 =	sand.u32 $0xF0, s15;
	v36 =	vmov s14;
	s14 =	sld [smem:$0x7ED]  }
0xa3: {  	p0 =	seq.s32 s0, s15;
	s17 =	sor.u32 $0x180, s17;
	v37 =	vmov s16;
	s16 =	sld [smem:$0x7EE]  }
0xa4: {  	s22 =	sor.u32 $0x80, s22;
	v40 =	vmov s26;
	s26 =	sshra.s32 s25, $0x2;
	s25 =	sld [smem:$0x7F8]  }
0xa5: {  	v38 =	vmov s8;
	v35 =	vmov s13;
	s8 =	sshra.s32 s19, $0x2;
	s19 =	sld [smem:$0x7F6];
	s13 =	sshra.s32 s14, $0x2  }
0xa6: {  	s14 =	sshra.s32 s16, $0x2;
	s16 =	sshra.s32 s18, $0x2;
	s18 =	sld [smem:$0x7F5]  }
0xa7: {  	p1 =	sgt.u32 s11, $0x177;
	v45 =	vmov s9;
	s9 =	sshra.s32 s23, $0x2;
	v42 =	vmov s14;
	s14 =	sld [smem:$0x7F3]  }
0xa8: {  	v46 =	vmov s26;
	s26 =	sshra.s32 s25, $0x2;
	s25 =	sshll.u32 s6, $0x7;
	v43 =	vmov s16;
	s16 =	sld [smem:$0x7F4]  }
0xa9: {  	s23 =	sand.u32 $0xF8, s6;
	v51 =	vmov s9;
	s9 =	simm.s32 @!p1 $0x0;
	[dreg:$0x17] =	wrdreg s25  }
0xaa: {  	v44 =	vmov s8;
	v41 =	vmov s13;
	s8 =	sshra.s32 s19, $0x2;
	s19 =	sld [smem:$0x7FB];
	s13 =	sshra.s32 s14, $0x2  }
0xab: {  	s14 =	sshrl.u32 s16, $0x2;
	s16 =	sshra.s32 s18, $0x2;
	s18 =	sld [smem:$0x7FA]  }
0xac: {  	v52 =	vmov s26;
	s26 =	sshrl.u32 s20, $0x4;
	s9 =	simm.s32 @p1 $0x1;
	v49 =	vmov s16;
	s16 =	sld [smem:$0x7F9]  }
0xad: {  	p1 =	seq.s32 s23, s6;
	[dreg:$0x18] =	wrdreg s26;
	v50 =	vmov s8;
	s8 =	sshra.s32 s19, $0x2;
	v48 =	vmov s14  }
0xae: {  	[smem:$0x7FC] =	sst s9;
	s9 =	simm.s32 @!p1 $0x0;
	v47 =	vmov s13;
	v55 =	vmov s8;
	s14 =	sshra.s32 s18, $0x2  }
0xaf: {  	v57 =	vlaneseq.u32;
	s26 =	simm.s32 $0x1;
	s9 =	simm.s32 @p1 $0x1;
	s13 =	sshra.s32 s16, $0x2;
	v54 =	vmov s14  }
0xb0: {  	v57 =	vadd.s32 $0xFFFFF001, v57;
	p1 =	sge.u32 s6, s2;
	[smem:$0x7FD] =	sst s9;
	s9 =	simm.s32 $0x0;
	v53 =	vmov s13  }
.LBB2_1:
0xb1: {  	[dreg:$0x19] =	wrdreg s9  }
0xb2: {  	s8 =	rddreg [dreg:$0x0];
	s6 =	simm.s32 $0x2  }
0xb3: {  	[tilespmem:s5], [sflag:$0x2] =	stream.linear.gather [hbm4b:s8+s5], $0x180, $0x38;
	[tilespmem:$0xBD80] =	vst v63  }
0xb4: {  	_ =	swait.ge [sflag:s6], $0x180  }
0xb5: {  	[sflag:s6] =	ssyncset.done $0x0  }
0xb6: {  	[sflag:s6] =	ssyncadd.s32 $0xFFFFFE80  }
0xb7: {  	v56 =	vimm.s32 $0x100;
	v59 =	vld.msk [tilespmem:s5+$0x0], $0xffff;
	_ =	sdelay $0x3  }
0xb8: {  	s8 =	simm.s32 $0x1C0  }
0xb9: {  	v58 =	vld.idx.msk [tilespmem:v56+s5+$0x0], $0xffff;
	[tilespmem:s8+$0xFFFFFFC0] =	vst v59  }
0xba: {  	[tilespmem:s8+$0x30] =	vst v59  }
0xbb: {  	[tilespmem:s8+$0x20] =	vst v59  }
0xbc: {  	p2 =	sgt.u32 s0, $0x8;
	[tilespmem:s8+$0x10] =	vst v59  }
.Ltmp0:
0xbd: {  	[tilespmem:s8+$0x0] =	vst v59;
	(pc) =	sbr.rel @!p2 .LBB2_3-.Ltmp0, $4  }
0xbe: {  	[tilespmem:s8+$0xFFFFFFF0] =	vst v59  }
0xbf: {  	[tilespmem:s8+$0xFFFFFFE0] =	vst v59  }
0xc0: {  	s6 =	rddreg [dreg:$0x7]  }
0xc1: {  	s9 =	simm.s32 $0x8;
	s18 =	rddreg [dreg:$0x8]  }
.LBB2_2:
0xc2: {  	s9 =	sadd.s32 $0x8, s9;
	[tilespmem:s8+$0xFFFFFFD0] =	vst v59;
	s8 =	sadd.s32 $0x400, s8  }
0xc3: {  	[tilespmem:s8+$0xFFFFFFC0] =	vst v59;
	p2 =	slt.u32 s9, s0  }
0xc4: {  	[tilespmem:s8+$0x30] =	vst v59  }
.Ltmp1:
0xc5: {  	[tilespmem:s8+$0x20] =	vst v59;
	(pc) =	sbr.rel @p2 .LBB2_2-.Ltmp1, $4  }
0xc6: {  	[tilespmem:s8+$0x10] =	vst v59  }
0xc7: {  	[tilespmem:s8+$0x0] =	vst v59  }
0xc8: {  	[tilespmem:s8+$0xFFFFFFF0] =	vst v59  }
0xc9: {  	[tilespmem:s8+$0xFFFFFFE0] =	vst v59  }
.LBB2_3:
.Ltmp2:
0xca: {  	(pc) =	sbr.rel @p0 .LBB2_4-.Ltmp2, $2  }
0xcb: {  	_ =	sdelay $0x2  }
0xcc: {  	[tilespmem:s8+$0xFFFFFFD0] =	vst v59;
	s8 =	smov.u32 s6;
	s9 =	smov.u32 s24;
	s13 =	smov.u32 s0  }
.LBB2_142:
0xcd: {  	s13 =	sadd.s32 $0x1, s13  }
0xce: {  	p2 =	slt.u32 s13, s15  }
.Ltmp3:
0xcf: {  	_ = 	snop;
	(pc) =	sbr.rel @p2 .LBB2_142-.Ltmp3, $4  }
0xd0: {  	_ = 	snop  }
0xd1: {  	s14 =	sand.u32 $0x70, s8;
	s16 =	sand.u32 $0x7FFFFC00, s9  }
0xd2: {  	s14 =	sor.u32 s14, s16  }
0xd3: {  	s9 =	sadd.s32 $0x80, s9;
	s8 =	sadd.s32 $0x10, s8;
	[tilespmem:s14+$0x180] =	vst v59  }
.LBB2_4:
0xd4: {  	s8 =	sld [smem:$0x7CA];
	_ =	sdelay $0x2  }
0xd5: {  	p2 =	seq.s32 s8, $0x1  }
.Ltmp4:
0xd6: {  	_ = 	snop;
	(pc) =	sbr.rel @p2 .LBB2_14-.Ltmp4, $1  }
0xd7: {  	_ =	sdelay $0x3  }
0xd8: {  	s9 =	sadd.s32 $0x1, s15  }
0xd9: {  	s13 =	rddreg [dreg:$0xd];
	p6 =	slt.u32 s9, s1  }
.Ltmp5:
0xda: {  	s8 =	sadd.s32 s13, s30;
	(pc) =	sbr.rel @!p6 .LBB2_6-.Ltmp5, $4  }
0xdb: {  	v60 =	vadd.s32 s8, v57  }
0xdc: {  	vm0 =	vgt.s32 v60, $0xFFFFFF80  }
0xdd: {  	s25 =	sadd.s32 $0xFFFFF781, s13;
	v61 =	vnsel vm0, $0xFFFFFF80, v60  }
0xde: {  	p2 =	por $0x0, $0x0;
	p5 =	por $0x0, $0x0;
	s19 =	sand.u32 $0x70, s25;
	vm0 =	vlt.s32 v61, $0x80  }
0xdf: {  	s9 =	sadd.s32 $0x1, s9  }
0xe0: {  	s8 =	sadd.s32 $0x10, s13;
	p6 =	slt.u32 s9, s1  }
.Ltmp6:
0xe1: {  	s13 =	sadd.s32 s8, s30;
	(pc) =	sbr.rel @!p6 .LBB2_8-.Ltmp6, $4  }
0xe2: {  	v60 =	vadd.s32 s13, v57  }
0xe3: {  	v62 =	vnsel vm0, $0x80, v61;
	vm0 =	vgt.s32 v60, $0xFFFFFF80  }
0xe4: {  	s25 =	sadd.s32 $0xFFFFF781, s8;
	v61 =	vnsel vm0, $0xFFFFFF80, v60  }
0xe5: {  	p2 =	por $0x1, $0x1;
	v62 =	vadd.s32 $0x80, v62;
	s25 =	sand.u32 $0x70, s25;
	vm0 =	vlt.s32 v61, $0x80  }
0xe6: {  	s8 =	sadd.s32 $0x10, s8  }
0xe7: {  	s13 =	sadd.s32 s8, s30  }
0xe8: {  	v63 =	vadd.s32 s13, v57;
	s13 =	sadd.s32 $0x1, s9  }
0xe9: {  	p6 =	slt.u32 s13, s1  }
.Ltmp7:
0xea: {  	v56 =	vnsel vm0, $0x80, v61;
	(pc) =	sbr.rel @!p6 .LBB2_10-.Ltmp7, $4  }
0xeb: {  	v60 =	vld.idx.msk [tilespmem:v62+s5+$0x0], $0xffff;
	v62 =	vadd.s32 $0x80, v56  }
0xec: {  	vm0 =	vgt.s32 v63, $0xFFFFFF80  }
0xed: {  	s14 =	sand.u32 $0xFFFFFC00, s18;
	p5 =	por $0x1, $0x1;
	s16 =	sadd.s32 $0xFFFFF781, s8;
	v61 =	vnsel vm0, $0xFFFFFF80, v63  }
0xee: {  	s14 =	sor.u32 s19, s14;
	s9 =	sand.u32 $0x70, s16;
	s16 =	smov.u32 s18;
	vm0 =	vlt.s32 v61, $0x80  }
.LBB2_11:
0xef: {  	s13 =	sadd.s32 $0x1, s13  }
0xf0: {  	v56 =	vnsel vm0, $0x80, v61;
	s8 =	sadd.s32 $0x10, s8;
	[tilespmem:s14+$0x180] =	vst v60;
	v60 =	vld.idx.msk [tilespmem:v62+s5+$0x0], $0xffff;
	s16 =	sadd.s32 $0x80, s16;
	p6 =	slt.u32 s13, s1  }
.Ltmp8:
0xf1: {  	s14 =	sadd.s32 $0xFFFFF781, s8;
	s19 =	sadd.s32 s8, s30;
	v62 =	vadd.s32 $0x80, v56;
	(pc) =	sbr.rel @p6 .LBB2_11-.Ltmp8, $4  }
0xf2: {  	v56 =	vadd.s32 s19, v57;
	s19 =	sand.u32 $0x70, s14  }
0xf3: {  	vm0 =	vgt.s32 v56, $0xFFFFFF80  }
0xf4: {  	s14 =	sand.u32 $0xFFFFFC00, s16;
	v61 =	vnsel vm0, $0xFFFFFF80, v56  }
0xf5: {  	s14 =	sor.u32 s25, s14;
	s25 =	smov.u32 s9;
	s9 =	smov.u32 s19;
	vm0 =	vlt.s32 v61, $0x80  }
0xf6: {  	s8 =	smov.u32 s25;
	s19 =	smov.u32 s9  }
.LBB2_13:
0xf7: {  	v56 =	vnsel vm0, $0x80, v61  }
0xf8: {  	v56 =	vadd.s32 $0x80, v56;
	_ =	sdelay $0x2  }
0xf9: {  	v61 =	vld.idx.msk @p2 [tilespmem:v62+s5+$0x0], $0xffff  }
0xfa: {  	s9 =	sadd.s32 @p5 $0x80, s16;
	s13 =	smov.u32 s18  }
0xfb: {  	s13 =	smov.u32 @p5 s9;
	v56 =	vld.idx.msk [tilespmem:v56+s5+$0x0], $0xffff  }
0xfc: {  	s16 =	smov.u32 s18;
	s9 =	sand.u32 @p2 $0xFFFFFC00, s13;
	s13 =	sadd.s32 @p2 $0x80, s13  }
0xfd: {  	s8 =	sor.u32 @p2 s8, s9;
	s16 =	smov.u32 @p2 s13  }
0xfe: {  	[tilespmem:s14+$0x180] =	vst @p5 v60;
	s8 =	smov.u32 @p2 s8;
	s16 =	sand.u32 $0xFFFFFC00, s16;
	v60 =	vpsel p2, v61, v0  }
0xff: {  	s25 =	sor.u32 s19, s16;
	[tilespmem:s8+$0x180] =	vst @p2 v60  }
0x100: {  	[tilespmem:s25+$0x180] =	vst v56  }
.LBB2_14:
0x101: {  	_ =	sdelay $0x2  }
0x102: {  	s8 =	simm.s32 $0x180  }
0x103: {  	s9 =	sadd.s32 $0x8, s1;
	[tilespmem:v0+s8+$0x0 ss:$0x1] =	vst.idx.msk $0xffff, v58  }
0x104: {  	[tilespmem:v7+s8+$0x0 ss:$0x1] =	vst.idx.msk $0xffff, v58;
	p2 =	slt.u32 s9, s10  }
.Ltmp9:
0x105: {  	[tilespmem:v6+s8+$0x0 ss:$0x1] =	vst.idx.msk $0xffff, v58;
	(pc) =	sbr.rel @!p2 .LBB2_16-.Ltmp9, $4  }
0x106: {  	[tilespmem:v5+s8+$0x0 ss:$0x1] =	vst.idx.msk $0xffff, v58  }
0x107: {  	[tilespmem:v4+s8+$0x0 ss:$0x1] =	vst.idx.msk $0xffff, v58  }
0x108: {  	[tilespmem:v3+s8+$0x0 ss:$0x1] =	vst.idx.msk $0xffff, v58  }
0x109: {  	[tilespmem:v2+s8+$0x0 ss:$0x1] =	vst.idx.msk $0xffff, v58  }
.LBB2_15:
0x10a: {  	s9 =	sadd.s32 $0x8, s9;
	[tilespmem:v1+s8+$0x0 ss:$0x1] =	vst.idx.msk $0xffff, v58;
	s8 =	sadd.s32 $0x400, s8  }
0x10b: {  	[tilespmem:v0+s8+$0x0 ss:$0x1] =	vst.idx.msk $0xffff, v58;
	p2 =	slt.u32 s9, s10  }
0x10c: {  	[tilespmem:v7+s8+$0x0 ss:$0x1] =	vst.idx.msk $0xffff, v58  }
.Ltmp10:
0x10d: {  	[tilespmem:v6+s8+$0x0 ss:$0x1] =	vst.idx.msk $0xffff, v58;
	(pc) =	sbr.rel @p2 .LBB2_15-.Ltmp10, $4  }
0x10e: {  	[tilespmem:v5+s8+$0x0 ss:$0x1] =	vst.idx.msk $0xffff, v58  }
0x10f: {  	[tilespmem:v4+s8+$0x0 ss:$0x1] =	vst.idx.msk $0xffff, v58  }
0x110: {  	[tilespmem:v3+s8+$0x0 ss:$0x1] =	vst.idx.msk $0xffff, v58  }
0x111: {  	[tilespmem:v2+s8+$0x0 ss:$0x1] =	vst.idx.msk $0xffff, v58  }
.LBB2_16:
0x112: {  	_ =	sdelay $0x3  }
0x113: {  	[tilespmem:v1+s8+$0x0 ss:$0x1] =	vst.idx.msk $0xffff, v58  }
0x114: {  	s14 =	sld [smem:$0x7CD];
	_ =	sdelay $0x2  }
0x115: {  	p2 =	seq.s32 s14, $0x1  }
.Ltmp11:
0x116: {  	_ = 	snop;
	(pc) =	sbr.rel @!p2 .LBB2_17-.Ltmp11, $4  }
0x117: {  	_ = 	snop  }
0x118: {  	s8 =	rddreg [dreg:$0x4]  }
0x119: {  	s9 =	rddreg [dreg:$0x3]  }
0x11a: {  	s13 =	rddreg [dreg:$0x9]  }
.LBB2_143:
0x11b: {  	s13 =	sadd.s32 $0x1, s13  }
0x11c: {  	p2 =	slt.u32 s13, $0x177  }
.Ltmp12:
0x11d: {  	_ = 	snop;
	(pc) =	sbr.rel @p2 .LBB2_143-.Ltmp12, $4  }
0x11e: {  	_ = 	snop  }
0x11f: {  	s14 =	sand.u32 $0x70, s8;
	s16 =	sand.u32 $0xFC00, s9  }
0x120: {  	s14 =	sor.u32 s14, s16  }
0x121: {  	s9 =	sadd.s32 $0x80, s9;
	s8 =	sadd.s32 $0x10, s8;
	[tilespmem:s14+$0x180] =	vst v58  }
.LBB2_17:
0x122: {  	s8 =	simm.s32 $0x270  }
0x123: {  	[tilespmem:s8+$0xFFFFFF90] =	vst v59  }
0x124: {  	p2 =	sgt.u32 s0, $0x8;
	[tilespmem:s8+$0x0] =	vst v59  }
.Ltmp13:
0x125: {  	[tilespmem:s8+$0xFFFFFFF0] =	vst v59;
	(pc) =	sbr.rel @!p2 .LBB2_19-.Ltmp13, $4  }
0x126: {  	[tilespmem:s8+$0xFFFFFFE0] =	vst v59  }
0x127: {  	[tilespmem:s8+$0xFFFFFFD0] =	vst v59  }
0x128: {  	[tilespmem:s8+$0xFFFFFFC0] =	vst v59  }
0x129: {  	s9 =	simm.s32 $0x8;
	[tilespmem:s8+$0xFFFFFFB0] =	vst v59  }
.LBB2_18:
0x12a: {  	s9 =	sadd.s32 $0x8, s9;
	[tilespmem:s8+$0xFFFFFFA0] =	vst v59;
	s8 =	sadd.s32 $0x400, s8  }
0x12b: {  	[tilespmem:s8+$0xFFFFFF90] =	vst v59;
	p2 =	slt.u32 s9, s0  }
0x12c: {  	[tilespmem:s8+$0x0] =	vst v59  }
.Ltmp14:
0x12d: {  	[tilespmem:s8+$0xFFFFFFF0] =	vst v59;
	(pc) =	sbr.rel @p2 .LBB2_18-.Ltmp14, $4  }
0x12e: {  	[tilespmem:s8+$0xFFFFFFE0] =	vst v59  }
0x12f: {  	[tilespmem:s8+$0xFFFFFFD0] =	vst v59  }
0x130: {  	[tilespmem:s8+$0xFFFFFFC0] =	vst v59  }
0x131: {  	[tilespmem:s8+$0xFFFFFFB0] =	vst v59  }
.LBB2_19:
.Ltmp15:
0x132: {  	(pc) =	sbr.rel @p0 .LBB2_21-.Ltmp15, $2  }
0x133: {  	_ =	sdelay $0x2  }
0x134: {  	[tilespmem:s8+$0xFFFFFFA0] =	vst v59;
	s8 =	smov.u32 s6;
	s9 =	smov.u32 s24;
	s13 =	smov.u32 s0  }
.LBB2_20:
0x135: {  	s13 =	sadd.s32 $0x1, s13  }
0x136: {  	p2 =	slt.u32 s13, s15  }
.Ltmp16:
0x137: {  	_ = 	snop;
	(pc) =	sbr.rel @p2 .LBB2_20-.Ltmp16, $4  }
0x138: {  	_ = 	snop  }
0x139: {  	s14 =	sand.u32 $0x70, s8;
	s16 =	sand.u32 $0x7FFFFC00, s9  }
0x13a: {  	s14 =	sor.u32 s14, s16  }
0x13b: {  	s9 =	sadd.s32 $0x80, s9;
	s8 =	sadd.s32 $0x10, s8;
	[tilespmem:s14+$0x200] =	vst v59  }
.LBB2_21:
.Ltmp17:
0x13c: {  	(pc) =	sbr.rel @p3 .LBB2_31-.Ltmp17, $1  }
0x13d: {  	_ =	sdelay $0x3  }
0x13e: {  	s9 =	sadd.s32 $0x1, s15  }
0x13f: {  	s13 =	rddreg [dreg:$0xe];
	p6 =	slt.u32 s9, s2  }
.Ltmp18:
0x140: {  	s8 =	sadd.s32 s13, s30;
	(pc) =	sbr.rel @!p6 .LBB2_23-.Ltmp18, $4  }
0x141: {  	v56 =	vadd.s32 s8, v57  }
0x142: {  	vm0 =	vgt.s32 v56, $0xFFFFFF80  }
0x143: {  	s25 =	sadd.s32 $0xFFFFF782, s13;
	v61 =	vnsel vm0, $0xFFFFFF80, v56  }
0x144: {  	p2 =	por $0x0, $0x0;
	p5 =	por $0x0, $0x0;
	s25 =	sand.u32 $0x70, s25;
	vm0 =	vlt.s32 v61, $0x80  }
0x145: {  	s8 =	sadd.s32 $0x10, s13  }
0x146: {  	s13 =	sadd.s32 s8, s30  }
0x147: {  	v56 =	vadd.s32 s13, v57;
	s13 =	sadd.s32 $0x1, s9  }
0x148: {  	p6 =	slt.u32 s13, s2  }
.Ltmp19:
0x149: {  	_ = 	snop;
	(pc) =	sbr.rel @!p6 .LBB2_25-.Ltmp19, $4  }
0x14a: {  	_ = 	snop  }
0x14b: {  	v60 =	vnsel vm0, $0x80, v61;
	vm0 =	vgt.s32 v56, $0xFFFFFF80  }
0x14c: {  	s19 =	sadd.s32 $0xFFFFF782, s8;
	v61 =	vnsel vm0, $0xFFFFFF80, v56  }
0x14d: {  	p2 =	por $0x1, $0x1;
	v62 =	vadd.s32 $0x80, v60;
	s9 =	sand.u32 $0x70, s19;
	vm0 =	vlt.s32 v61, $0x80  }
0x14e: {  	_ = 	snop  }
0x14f: {  	s13 =	sadd.s32 $0x1, s13  }
0x150: {  	s8 =	sadd.s32 $0x10, s8;
	p6 =	slt.u32 s13, s2  }
.Ltmp20:
0x151: {  	v63 =	vnsel vm0, $0x80, v61;
	s14 =	sadd.s32 s8, s30;
	(pc) =	sbr.rel @!p6 .LBB2_27-.Ltmp20, $4  }
0x152: {  	v60 =	vld.idx.msk [tilespmem:v62+s5+$0x0], $0xffff;
	v62 =	vadd.s32 $0x80, v63;
	v56 =	vadd.s32 s14, v57  }
0x153: {  	vm0 =	vgt.s32 v56, $0xFFFFFF80  }
0x154: {  	s16 =	sand.u32 $0xFFFFFC00, s18;
	p5 =	por $0x1, $0x1;
	s19 =	sadd.s32 $0xFFFFF782, s8;
	v61 =	vnsel vm0, $0xFFFFFF80, v56  }
0x155: {  	s19 =	sand.u32 $0x70, s19;
	s14 =	sor.u32 s25, s16;
	s16 =	smov.u32 s18;
	vm0 =	vlt.s32 v61, $0x80  }
.LBB2_28:
0x156: {  	s13 =	sadd.s32 $0x1, s13  }
0x157: {  	v56 =	vnsel vm0, $0x80, v61;
	s8 =	sadd.s32 $0x10, s8;
	[tilespmem:s14+$0x200] =	vst v60;
	v60 =	vld.idx.msk [tilespmem:v62+s5+$0x0], $0xffff;
	s16 =	sadd.s32 $0x80, s16;
	p6 =	slt.u32 s13, s2  }
.Ltmp21:
0x158: {  	s14 =	sadd.s32 $0xFFFFF782, s8;
	s25 =	sadd.s32 s8, s30;
	v62 =	vadd.s32 $0x80, v56;
	(pc) =	sbr.rel @p6 .LBB2_28-.Ltmp21, $4  }
0x159: {  	v56 =	vadd.s32 s25, v57;
	s25 =	sand.u32 $0x70, s14  }
0x15a: {  	vm0 =	vgt.s32 v56, $0xFFFFFF80  }
0x15b: {  	s14 =	sand.u32 $0xFFFFFC00, s16;
	v61 =	vnsel vm0, $0xFFFFFF80, v56  }
0x15c: {  	s14 =	sor.u32 s9, s14;
	s9 =	smov.u32 s19;
	s19 =	smov.u32 s25;
	vm0 =	vlt.s32 v61, $0x80  }
0x15d: {  	s8 =	smov.u32 s9;
	s25 =	smov.u32 s19  }
.LBB2_30:
0x15e: {  	v56 =	vnsel vm0, $0x80, v61  }
0x15f: {  	v56 =	vadd.s32 $0x80, v56;
	_ =	sdelay $0x2  }
0x160: {  	v61 =	vld.idx.msk @p2 [tilespmem:v62+s5+$0x0], $0xffff  }
0x161: {  	s9 =	sadd.s32 @p5 $0x80, s16;
	s13 =	smov.u32 s18  }
0x162: {  	s13 =	smov.u32 @p5 s9;
	v56 =	vld.idx.msk [tilespmem:v56+s5+$0x0], $0xffff  }
0x163: {  	s16 =	smov.u32 s18;
	s9 =	sand.u32 @p2 $0xFFFFFC00, s13;
	s13 =	sadd.s32 @p2 $0x80, s13  }
0x164: {  	s8 =	sor.u32 @p2 s8, s9;
	s16 =	smov.u32 @p2 s13  }
0x165: {  	[tilespmem:s14+$0x200] =	vst @p5 v60;
	s8 =	smov.u32 @p2 s8;
	s19 =	sand.u32 $0xFFFFFC00, s16;
	v60 =	vpsel p2, v61, v0  }
0x166: {  	s25 =	sor.u32 s25, s19;
	[tilespmem:s8+$0x200] =	vst @p2 v60  }
0x167: {  	[tilespmem:s25+$0x200] =	vst v56  }
.LBB2_31:
0x168: {  	_ =	sdelay $0x2  }
0x169: {  	s8 =	simm.s32 $0x180  }
0x16a: {  	s9 =	sadd.s32 $0x8, s2;
	[tilespmem:v8+s8+$0x0 ss:$0x1] =	vst.idx.msk $0xffff, v58  }
0x16b: {  	[tilespmem:v15+s8+$0x0 ss:$0x1] =	vst.idx.msk $0xffff, v58;
	p2 =	slt.u32 s9, s11  }
.Ltmp22:
0x16c: {  	[tilespmem:v14+s8+$0x0 ss:$0x1] =	vst.idx.msk $0xffff, v58;
	(pc) =	sbr.rel @!p2 .LBB2_33-.Ltmp22, $4  }
0x16d: {  	[tilespmem:v13+s8+$0x0 ss:$0x1] =	vst.idx.msk $0xffff, v58  }
0x16e: {  	[tilespmem:v12+s8+$0x0 ss:$0x1] =	vst.idx.msk $0xffff, v58  }
0x16f: {  	[tilespmem:v11+s8+$0x0 ss:$0x1] =	vst.idx.msk $0xffff, v58  }
0x170: {  	[tilespmem:v10+s8+$0x0 ss:$0x1] =	vst.idx.msk $0xffff, v58  }
.LBB2_32:
0x171: {  	s9 =	sadd.s32 $0x8, s9;
	[tilespmem:v9+s8+$0x0 ss:$0x1] =	vst.idx.msk $0xffff, v58;
	s8 =	sadd.s32 $0x400, s8  }
0x172: {  	[tilespmem:v8+s8+$0x0 ss:$0x1] =	vst.idx.msk $0xffff, v58;
	p2 =	slt.u32 s9, s11  }
0x173: {  	[tilespmem:v15+s8+$0x0 ss:$0x1] =	vst.idx.msk $0xffff, v58  }
.Ltmp23:
0x174: {  	[tilespmem:v14+s8+$0x0 ss:$0x1] =	vst.idx.msk $0xffff, v58;
	(pc) =	sbr.rel @p2 .LBB2_32-.Ltmp23, $4  }
0x175: {  	[tilespmem:v13+s8+$0x0 ss:$0x1] =	vst.idx.msk $0xffff, v58  }
0x176: {  	[tilespmem:v12+s8+$0x0 ss:$0x1] =	vst.idx.msk $0xffff, v58  }
0x177: {  	[tilespmem:v11+s8+$0x0 ss:$0x1] =	vst.idx.msk $0xffff, v58  }
0x178: {  	[tilespmem:v10+s8+$0x0 ss:$0x1] =	vst.idx.msk $0xffff, v58  }
.LBB2_33:
0x179: {  	_ = 	snop  }
.Ltmp24:
0x17a: {  	_ = 	snop;
	(pc) =	sbr.rel @!p4 .LBB2_34-.Ltmp24, $3  }
0x17b: {  	_ =	sdelay $0x1  }
0x17c: {  	[tilespmem:v9+s8+$0x0 ss:$0x1] =	vst.idx.msk $0xffff, v58  }
0x17d: {  	s8 =	smov.u32 s20;
	s13 =	smov.u32 s28;
	s9 =	rddreg [dreg:$0xc]  }
.LBB2_144:
0x17e: {  	s13 =	sadd.s32 $0x1, s13  }
0x17f: {  	p2 =	slt.u32 s13, $0x177  }
.Ltmp25:
0x180: {  	_ = 	snop;
	(pc) =	sbr.rel @p2 .LBB2_144-.Ltmp25, $4  }
0x181: {  	_ = 	snop  }
0x182: {  	s14 =	sand.u32 $0x70, s8;
	s16 =	sand.u32 $0xFC00, s9  }
0x183: {  	s14 =	sor.u32 s14, s16  }
0x184: {  	s9 =	sadd.s32 $0x80, s9;
	s8 =	sadd.s32 $0x10, s8;
	[tilespmem:s14+$0x200] =	vst v58  }
.LBB2_34:
0x185: {  	s8 =	simm.s32 $0x2F0  }
0x186: {  	[tilespmem:s8+$0xFFFFFF90] =	vst v59  }
0x187: {  	p2 =	sgt.u32 s0, $0x8;
	[tilespmem:s8+$0x0] =	vst v59  }
.Ltmp26:
0x188: {  	[tilespmem:s8+$0xFFFFFFF0] =	vst v59;
	(pc) =	sbr.rel @!p2 .LBB2_36-.Ltmp26, $4  }
0x189: {  	[tilespmem:s8+$0xFFFFFFE0] =	vst v59  }
0x18a: {  	[tilespmem:s8+$0xFFFFFFD0] =	vst v59  }
0x18b: {  	[tilespmem:s8+$0xFFFFFFC0] =	vst v59  }
0x18c: {  	s9 =	simm.s32 $0x8;
	[tilespmem:s8+$0xFFFFFFB0] =	vst v59  }
.LBB2_35:
0x18d: {  	s9 =	sadd.s32 $0x8, s9;
	[tilespmem:s8+$0xFFFFFFA0] =	vst v59;
	s8 =	sadd.s32 $0x400, s8  }
0x18e: {  	[tilespmem:s8+$0xFFFFFF90] =	vst v59;
	p2 =	slt.u32 s9, s0  }
0x18f: {  	[tilespmem:s8+$0x0] =	vst v59  }
.Ltmp27:
0x190: {  	[tilespmem:s8+$0xFFFFFFF0] =	vst v59;
	(pc) =	sbr.rel @p2 .LBB2_35-.Ltmp27, $4  }
0x191: {  	[tilespmem:s8+$0xFFFFFFE0] =	vst v59  }
0x192: {  	[tilespmem:s8+$0xFFFFFFD0] =	vst v59  }
0x193: {  	[tilespmem:s8+$0xFFFFFFC0] =	vst v59  }
0x194: {  	[tilespmem:s8+$0xFFFFFFB0] =	vst v59  }
.LBB2_36:
.Ltmp28:
0x195: {  	(pc) =	sbr.rel @p0 .LBB2_38-.Ltmp28, $2  }
0x196: {  	_ =	sdelay $0x2  }
0x197: {  	[tilespmem:s8+$0xFFFFFFA0] =	vst v59;
	s8 =	smov.u32 s6;
	s9 =	smov.u32 s24;
	s13 =	smov.u32 s0  }
.LBB2_37:
0x198: {  	s13 =	sadd.s32 $0x1, s13  }
0x199: {  	p2 =	slt.u32 s13, s15  }
.Ltmp29:
0x19a: {  	_ = 	snop;
	(pc) =	sbr.rel @p2 .LBB2_37-.Ltmp29, $4  }
0x19b: {  	_ = 	snop  }
0x19c: {  	s14 =	sand.u32 $0x70, s8;
	s16 =	sand.u32 $0x7FFFFC00, s9  }
0x19d: {  	s14 =	sor.u32 s14, s16  }
0x19e: {  	s9 =	sadd.s32 $0x80, s9;
	s8 =	sadd.s32 $0x10, s8;
	[tilespmem:s14+$0x280] =	vst v59  }
.LBB2_38:
.Ltmp30:
0x19f: {  	(pc) =	sbr.rel @p3 .LBB2_48-.Ltmp30, $1  }
0x1a0: {  	_ =	sdelay $0x3  }
0x1a1: {  	s9 =	sadd.s32 $0x1, s15  }
0x1a2: {  	s13 =	rddreg [dreg:$0xf];
	p6 =	slt.u32 s9, s2  }
.Ltmp31:
0x1a3: {  	s8 =	sadd.s32 s13, s30;
	(pc) =	sbr.rel @!p6 .LBB2_40-.Ltmp31, $4  }
0x1a4: {  	v56 =	vadd.s32 s8, v57  }
0x1a5: {  	vm0 =	vgt.s32 v56, $0xFFFFFF80  }
0x1a6: {  	s25 =	sadd.s32 $0xFFFFF783, s13;
	v61 =	vnsel vm0, $0xFFFFFF80, v56  }
0x1a7: {  	p2 =	por $0x0, $0x0;
	p5 =	por $0x0, $0x0;
	s25 =	sand.u32 $0x70, s25;
	vm0 =	vlt.s32 v61, $0x80  }
0x1a8: {  	s8 =	sadd.s32 $0x10, s13  }
0x1a9: {  	s13 =	sadd.s32 s8, s30  }
0x1aa: {  	v56 =	vadd.s32 s13, v57;
	s13 =	sadd.s32 $0x1, s9  }
0x1ab: {  	p6 =	slt.u32 s13, s2  }
.Ltmp32:
0x1ac: {  	_ = 	snop;
	(pc) =	sbr.rel @!p6 .LBB2_42-.Ltmp32, $4  }
0x1ad: {  	_ = 	snop  }
0x1ae: {  	v60 =	vnsel vm0, $0x80, v61;
	vm0 =	vgt.s32 v56, $0xFFFFFF80  }
0x1af: {  	s19 =	sadd.s32 $0xFFFFF783, s8;
	v61 =	vnsel vm0, $0xFFFFFF80, v56  }
0x1b0: {  	p2 =	por $0x1, $0x1;
	v62 =	vadd.s32 $0x80, v60;
	s9 =	sand.u32 $0x70, s19;
	vm0 =	vlt.s32 v61, $0x80  }
0x1b1: {  	_ = 	snop  }
0x1b2: {  	s13 =	sadd.s32 $0x1, s13  }
0x1b3: {  	s8 =	sadd.s32 $0x10, s8;
	p6 =	slt.u32 s13, s2  }
.Ltmp33:
0x1b4: {  	v63 =	vnsel vm0, $0x80, v61;
	s14 =	sadd.s32 s8, s30;
	(pc) =	sbr.rel @!p6 .LBB2_44-.Ltmp33, $4  }
0x1b5: {  	v60 =	vld.idx.msk [tilespmem:v62+s5+$0x0], $0xffff;
	v62 =	vadd.s32 $0x80, v63;
	v56 =	vadd.s32 s14, v57  }
0x1b6: {  	vm0 =	vgt.s32 v56, $0xFFFFFF80  }
0x1b7: {  	s16 =	sand.u32 $0xFFFFFC00, s18;
	p5 =	por $0x1, $0x1;
	s19 =	sadd.s32 $0xFFFFF783, s8;
	v61 =	vnsel vm0, $0xFFFFFF80, v56  }
0x1b8: {  	s19 =	sand.u32 $0x70, s19;
	s14 =	sor.u32 s25, s16;
	s16 =	smov.u32 s18;
	vm0 =	vlt.s32 v61, $0x80  }
.LBB2_45:
0x1b9: {  	s13 =	sadd.s32 $0x1, s13  }
0x1ba: {  	v56 =	vnsel vm0, $0x80, v61;
	s8 =	sadd.s32 $0x10, s8;
	[tilespmem:s14+$0x280] =	vst v60;
	v60 =	vld.idx.msk [tilespmem:v62+s5+$0x0], $0xffff;
	s16 =	sadd.s32 $0x80, s16;
	p6 =	slt.u32 s13, s2  }
.Ltmp34:
0x1bb: {  	s14 =	sadd.s32 $0xFFFFF783, s8;
	s25 =	sadd.s32 s8, s30;
	v62 =	vadd.s32 $0x80, v56;
	(pc) =	sbr.rel @p6 .LBB2_45-.Ltmp34, $4  }
0x1bc: {  	v56 =	vadd.s32 s25, v57;
	s25 =	sand.u32 $0x70, s14  }
0x1bd: {  	vm0 =	vgt.s32 v56, $0xFFFFFF80  }
0x1be: {  	s14 =	sand.u32 $0xFFFFFC00, s16;
	v61 =	vnsel vm0, $0xFFFFFF80, v56  }
0x1bf: {  	s14 =	sor.u32 s9, s14;
	s9 =	smov.u32 s19;
	s19 =	smov.u32 s25;
	vm0 =	vlt.s32 v61, $0x80  }
0x1c0: {  	s8 =	smov.u32 s9;
	s25 =	smov.u32 s19  }
.LBB2_47:
0x1c1: {  	v56 =	vnsel vm0, $0x80, v61  }
0x1c2: {  	v56 =	vadd.s32 $0x80, v56;
	_ =	sdelay $0x2  }
0x1c3: {  	v61 =	vld.idx.msk @p2 [tilespmem:v62+s5+$0x0], $0xffff  }
0x1c4: {  	s9 =	sadd.s32 @p5 $0x80, s16;
	s13 =	smov.u32 s18  }
0x1c5: {  	s13 =	smov.u32 @p5 s9;
	v56 =	vld.idx.msk [tilespmem:v56+s5+$0x0], $0xffff  }
0x1c6: {  	s16 =	smov.u32 s18;
	s9 =	sand.u32 @p2 $0xFFFFFC00, s13;
	s13 =	sadd.s32 @p2 $0x80, s13  }
0x1c7: {  	s8 =	sor.u32 @p2 s8, s9;
	s16 =	smov.u32 @p2 s13  }
0x1c8: {  	[tilespmem:s14+$0x280] =	vst @p5 v60;
	s8 =	smov.u32 @p2 s8;
	s19 =	sand.u32 $0xFFFFFC00, s16;
	v60 =	vpsel p2, v61, v0  }
0x1c9: {  	s25 =	sor.u32 s25, s19;
	[tilespmem:s8+$0x280] =	vst @p2 v60  }
0x1ca: {  	[tilespmem:s25+$0x280] =	vst v56  }
.LBB2_48:
0x1cb: {  	_ =	sdelay $0x2  }
0x1cc: {  	s8 =	simm.s32 $0x180  }
0x1cd: {  	s9 =	sadd.s32 $0x8, s2;
	[tilespmem:v16+s8+$0x0 ss:$0x1] =	vst.idx.msk $0xffff, v58  }
0x1ce: {  	[tilespmem:v23+s8+$0x0 ss:$0x1] =	vst.idx.msk $0xffff, v58;
	p2 =	slt.u32 s9, s11  }
.Ltmp35:
0x1cf: {  	[tilespmem:v22+s8+$0x0 ss:$0x1] =	vst.idx.msk $0xffff, v58;
	(pc) =	sbr.rel @!p2 .LBB2_50-.Ltmp35, $4  }
0x1d0: {  	[tilespmem:v21+s8+$0x0 ss:$0x1] =	vst.idx.msk $0xffff, v58  }
0x1d1: {  	[tilespmem:v20+s8+$0x0 ss:$0x1] =	vst.idx.msk $0xffff, v58  }
0x1d2: {  	[tilespmem:v19+s8+$0x0 ss:$0x1] =	vst.idx.msk $0xffff, v58  }
0x1d3: {  	[tilespmem:v18+s8+$0x0 ss:$0x1] =	vst.idx.msk $0xffff, v58  }
.LBB2_49:
0x1d4: {  	s9 =	sadd.s32 $0x8, s9;
	[tilespmem:v17+s8+$0x0 ss:$0x1] =	vst.idx.msk $0xffff, v58;
	s8 =	sadd.s32 $0x400, s8  }
0x1d5: {  	[tilespmem:v16+s8+$0x0 ss:$0x1] =	vst.idx.msk $0xffff, v58;
	p2 =	slt.u32 s9, s11  }
0x1d6: {  	[tilespmem:v23+s8+$0x0 ss:$0x1] =	vst.idx.msk $0xffff, v58  }
.Ltmp36:
0x1d7: {  	[tilespmem:v22+s8+$0x0 ss:$0x1] =	vst.idx.msk $0xffff, v58;
	(pc) =	sbr.rel @p2 .LBB2_49-.Ltmp36, $4  }
0x1d8: {  	[tilespmem:v21+s8+$0x0 ss:$0x1] =	vst.idx.msk $0xffff, v58  }
0x1d9: {  	[tilespmem:v20+s8+$0x0 ss:$0x1] =	vst.idx.msk $0xffff, v58  }
0x1da: {  	[tilespmem:v19+s8+$0x0 ss:$0x1] =	vst.idx.msk $0xffff, v58  }
0x1db: {  	[tilespmem:v18+s8+$0x0 ss:$0x1] =	vst.idx.msk $0xffff, v58  }
.LBB2_50:
0x1dc: {  	_ = 	snop  }
.Ltmp37:
0x1dd: {  	_ = 	snop;
	(pc) =	sbr.rel @!p4 .LBB2_51-.Ltmp37, $3  }
0x1de: {  	_ =	sdelay $0x1  }
0x1df: {  	[tilespmem:v17+s8+$0x0 ss:$0x1] =	vst.idx.msk $0xffff, v58  }
0x1e0: {  	s8 =	smov.u32 s20;
	s13 =	smov.u32 s28;
	s9 =	rddreg [dreg:$0xc]  }
.LBB2_145:
0x1e1: {  	s13 =	sadd.s32 $0x1, s13  }
0x1e2: {  	p2 =	slt.u32 s13, $0x177  }
.Ltmp38:
0x1e3: {  	_ = 	snop;
	(pc) =	sbr.rel @p2 .LBB2_145-.Ltmp38, $4  }
0x1e4: {  	_ = 	snop  }
0x1e5: {  	s14 =	sand.u32 $0x70, s8;
	s16 =	sand.u32 $0xFC00, s9  }
0x1e6: {  	s14 =	sor.u32 s14, s16  }
0x1e7: {  	s9 =	sadd.s32 $0x80, s9;
	s8 =	sadd.s32 $0x10, s8;
	[tilespmem:s14+$0x280] =	vst v58  }
.LBB2_51:
0x1e8: {  	s8 =	simm.s32 $0x370  }
0x1e9: {  	[tilespmem:s8+$0xFFFFFF90] =	vst v59  }
0x1ea: {  	p2 =	sgt.u32 s0, $0x8;
	[tilespmem:s8+$0x0] =	vst v59  }
.Ltmp39:
0x1eb: {  	[tilespmem:s8+$0xFFFFFFF0] =	vst v59;
	(pc) =	sbr.rel @!p2 .LBB2_53-.Ltmp39, $4  }
0x1ec: {  	[tilespmem:s8+$0xFFFFFFE0] =	vst v59  }
0x1ed: {  	[tilespmem:s8+$0xFFFFFFD0] =	vst v59  }
0x1ee: {  	[tilespmem:s8+$0xFFFFFFC0] =	vst v59  }
0x1ef: {  	s9 =	simm.s32 $0x8;
	[tilespmem:s8+$0xFFFFFFB0] =	vst v59  }
.LBB2_52:
0x1f0: {  	s9 =	sadd.s32 $0x8, s9;
	[tilespmem:s8+$0xFFFFFFA0] =	vst v59;
	s8 =	sadd.s32 $0x400, s8  }
0x1f1: {  	[tilespmem:s8+$0xFFFFFF90] =	vst v59;
	p2 =	slt.u32 s9, s0  }
0x1f2: {  	[tilespmem:s8+$0x0] =	vst v59  }
.Ltmp40:
0x1f3: {  	[tilespmem:s8+$0xFFFFFFF0] =	vst v59;
	(pc) =	sbr.rel @p2 .LBB2_52-.Ltmp40, $4  }
0x1f4: {  	[tilespmem:s8+$0xFFFFFFE0] =	vst v59  }
0x1f5: {  	[tilespmem:s8+$0xFFFFFFD0] =	vst v59  }
0x1f6: {  	[tilespmem:s8+$0xFFFFFFC0] =	vst v59  }
0x1f7: {  	[tilespmem:s8+$0xFFFFFFB0] =	vst v59  }
.LBB2_53:
.Ltmp41:
0x1f8: {  	(pc) =	sbr.rel @p0 .LBB2_55-.Ltmp41, $2  }
0x1f9: {  	_ =	sdelay $0x2  }
0x1fa: {  	[tilespmem:s8+$0xFFFFFFA0] =	vst v59;
	s8 =	smov.u32 s6;
	s9 =	smov.u32 s24;
	s13 =	smov.u32 s0  }
.LBB2_54:
0x1fb: {  	s13 =	sadd.s32 $0x1, s13  }
0x1fc: {  	p2 =	slt.u32 s13, s15  }
.Ltmp42:
0x1fd: {  	_ = 	snop;
	(pc) =	sbr.rel @p2 .LBB2_54-.Ltmp42, $4  }
0x1fe: {  	_ = 	snop  }
0x1ff: {  	s14 =	sand.u32 $0x70, s8;
	s16 =	sand.u32 $0x7FFFFC00, s9  }
0x200: {  	s14 =	sor.u32 s14, s16  }
0x201: {  	s9 =	sadd.s32 $0x80, s9;
	s8 =	sadd.s32 $0x10, s8;
	[tilespmem:s14+$0x300] =	vst v59  }
.LBB2_55:
.Ltmp43:
0x202: {  	(pc) =	sbr.rel @p3 .LBB2_65-.Ltmp43, $1  }
0x203: {  	_ =	sdelay $0x3  }
0x204: {  	s9 =	sadd.s32 $0x1, s15  }
0x205: {  	s13 =	rddreg [dreg:$0x10];
	p6 =	slt.u32 s9, s2  }
.Ltmp44:
0x206: {  	s8 =	sadd.s32 s13, s30;
	(pc) =	sbr.rel @!p6 .LBB2_57-.Ltmp44, $4  }
0x207: {  	v56 =	vadd.s32 s8, v57  }
0x208: {  	vm0 =	vgt.s32 v56, $0xFFFFFF80  }
0x209: {  	s25 =	sadd.s32 $0xFFFFF784, s13;
	v61 =	vnsel vm0, $0xFFFFFF80, v56  }
0x20a: {  	p2 =	por $0x0, $0x0;
	p5 =	por $0x0, $0x0;
	s25 =	sand.u32 $0x70, s25;
	vm0 =	vlt.s32 v61, $0x80  }
0x20b: {  	s8 =	sadd.s32 $0x10, s13  }
0x20c: {  	s13 =	sadd.s32 s8, s30  }
0x20d: {  	v56 =	vadd.s32 s13, v57;
	s13 =	sadd.s32 $0x1, s9  }
0x20e: {  	p6 =	slt.u32 s13, s2  }
.Ltmp45:
0x20f: {  	_ = 	snop;
	(pc) =	sbr.rel @!p6 .LBB2_59-.Ltmp45, $4  }
0x210: {  	_ = 	snop  }
0x211: {  	v60 =	vnsel vm0, $0x80, v61;
	vm0 =	vgt.s32 v56, $0xFFFFFF80  }
0x212: {  	s19 =	sadd.s32 $0xFFFFF784, s8;
	v61 =	vnsel vm0, $0xFFFFFF80, v56  }
0x213: {  	p2 =	por $0x1, $0x1;
	v62 =	vadd.s32 $0x80, v60;
	s9 =	sand.u32 $0x70, s19;
	vm0 =	vlt.s32 v61, $0x80  }
0x214: {  	_ = 	snop  }
0x215: {  	s13 =	sadd.s32 $0x1, s13  }
0x216: {  	s8 =	sadd.s32 $0x10, s8;
	p6 =	slt.u32 s13, s2  }
.Ltmp46:
0x217: {  	v63 =	vnsel vm0, $0x80, v61;
	s14 =	sadd.s32 s8, s30;
	(pc) =	sbr.rel @!p6 .LBB2_61-.Ltmp46, $4  }
0x218: {  	v60 =	vld.idx.msk [tilespmem:v62+s5+$0x0], $0xffff;
	v62 =	vadd.s32 $0x80, v63;
	v56 =	vadd.s32 s14, v57  }
0x219: {  	vm0 =	vgt.s32 v56, $0xFFFFFF80  }
0x21a: {  	s16 =	sand.u32 $0xFFFFFC00, s18;
	p5 =	por $0x1, $0x1;
	s19 =	sadd.s32 $0xFFFFF784, s8;
	v61 =	vnsel vm0, $0xFFFFFF80, v56  }
0x21b: {  	s19 =	sand.u32 $0x70, s19;
	s14 =	sor.u32 s25, s16;
	s16 =	smov.u32 s18;
	vm0 =	vlt.s32 v61, $0x80  }
.LBB2_62:
0x21c: {  	s13 =	sadd.s32 $0x1, s13  }
0x21d: {  	v56 =	vnsel vm0, $0x80, v61;
	s8 =	sadd.s32 $0x10, s8;
	[tilespmem:s14+$0x300] =	vst v60;
	v60 =	vld.idx.msk [tilespmem:v62+s5+$0x0], $0xffff;
	s16 =	sadd.s32 $0x80, s16;
	p6 =	slt.u32 s13, s2  }
.Ltmp47:
0x21e: {  	s14 =	sadd.s32 $0xFFFFF784, s8;
	s25 =	sadd.s32 s8, s30;
	v62 =	vadd.s32 $0x80, v56;
	(pc) =	sbr.rel @p6 .LBB2_62-.Ltmp47, $4  }
0x21f: {  	v56 =	vadd.s32 s25, v57;
	s25 =	sand.u32 $0x70, s14  }
0x220: {  	vm0 =	vgt.s32 v56, $0xFFFFFF80  }
0x221: {  	s14 =	sand.u32 $0xFFFFFC00, s16;
	v61 =	vnsel vm0, $0xFFFFFF80, v56  }
0x222: {  	s14 =	sor.u32 s9, s14;
	s9 =	smov.u32 s19;
	s19 =	smov.u32 s25;
	vm0 =	vlt.s32 v61, $0x80  }
0x223: {  	s8 =	smov.u32 s9;
	s25 =	smov.u32 s19  }
.LBB2_64:
0x224: {  	v56 =	vnsel vm0, $0x80, v61  }
0x225: {  	v56 =	vadd.s32 $0x80, v56;
	_ =	sdelay $0x2  }
0x226: {  	v61 =	vld.idx.msk @p2 [tilespmem:v62+s5+$0x0], $0xffff  }
0x227: {  	s9 =	sadd.s32 @p5 $0x80, s16;
	s13 =	smov.u32 s18  }
0x228: {  	s13 =	smov.u32 @p5 s9;
	v56 =	vld.idx.msk [tilespmem:v56+s5+$0x0], $0xffff  }
0x229: {  	s16 =	smov.u32 s18;
	s9 =	sand.u32 @p2 $0xFFFFFC00, s13;
	s13 =	sadd.s32 @p2 $0x80, s13  }
0x22a: {  	s8 =	sor.u32 @p2 s8, s9;
	s16 =	smov.u32 @p2 s13  }
0x22b: {  	[tilespmem:s14+$0x300] =	vst @p5 v60;
	s8 =	smov.u32 @p2 s8;
	s19 =	sand.u32 $0xFFFFFC00, s16;
	v60 =	vpsel p2, v61, v0  }
0x22c: {  	s25 =	sor.u32 s25, s19;
	[tilespmem:s8+$0x300] =	vst @p2 v60  }
0x22d: {  	[tilespmem:s25+$0x300] =	vst v56  }
.LBB2_65:
0x22e: {  	_ =	sdelay $0x2  }
0x22f: {  	s8 =	simm.s32 $0x180  }
0x230: {  	s9 =	sadd.s32 $0x8, s2;
	[tilespmem:v24+s8+$0x0 ss:$0x1] =	vst.idx.msk $0xffff, v58  }
0x231: {  	[tilespmem:v31+s8+$0x0 ss:$0x1] =	vst.idx.msk $0xffff, v58;
	p2 =	slt.u32 s9, s11  }
.Ltmp48:
0x232: {  	[tilespmem:v30+s8+$0x0 ss:$0x1] =	vst.idx.msk $0xffff, v58;
	(pc) =	sbr.rel @!p2 .LBB2_67-.Ltmp48, $4  }
0x233: {  	[tilespmem:v29+s8+$0x0 ss:$0x1] =	vst.idx.msk $0xffff, v58  }
0x234: {  	[tilespmem:v28+s8+$0x0 ss:$0x1] =	vst.idx.msk $0xffff, v58  }
0x235: {  	[tilespmem:v27+s8+$0x0 ss:$0x1] =	vst.idx.msk $0xffff, v58  }
0x236: {  	[tilespmem:v26+s8+$0x0 ss:$0x1] =	vst.idx.msk $0xffff, v58  }
.LBB2_66:
0x237: {  	s9 =	sadd.s32 $0x8, s9;
	[tilespmem:v25+s8+$0x0 ss:$0x1] =	vst.idx.msk $0xffff, v58;
	s8 =	sadd.s32 $0x400, s8  }
0x238: {  	[tilespmem:v24+s8+$0x0 ss:$0x1] =	vst.idx.msk $0xffff, v58;
	p2 =	slt.u32 s9, s11  }
0x239: {  	[tilespmem:v31+s8+$0x0 ss:$0x1] =	vst.idx.msk $0xffff, v58  }
.Ltmp49:
0x23a: {  	[tilespmem:v30+s8+$0x0 ss:$0x1] =	vst.idx.msk $0xffff, v58;
	(pc) =	sbr.rel @p2 .LBB2_66-.Ltmp49, $4  }
0x23b: {  	[tilespmem:v29+s8+$0x0 ss:$0x1] =	vst.idx.msk $0xffff, v58  }
0x23c: {  	[tilespmem:v28+s8+$0x0 ss:$0x1] =	vst.idx.msk $0xffff, v58  }
0x23d: {  	[tilespmem:v27+s8+$0x0 ss:$0x1] =	vst.idx.msk $0xffff, v58  }
0x23e: {  	[tilespmem:v26+s8+$0x0 ss:$0x1] =	vst.idx.msk $0xffff, v58  }
.LBB2_67:
0x23f: {  	_ = 	snop  }
.Ltmp50:
0x240: {  	_ = 	snop;
	(pc) =	sbr.rel @!p4 .LBB2_68-.Ltmp50, $3  }
0x241: {  	_ =	sdelay $0x1  }
0x242: {  	[tilespmem:v25+s8+$0x0 ss:$0x1] =	vst.idx.msk $0xffff, v58  }
0x243: {  	s8 =	smov.u32 s20;
	s13 =	smov.u32 s28;
	s9 =	rddreg [dreg:$0xc]  }
.LBB2_146:
0x244: {  	s13 =	sadd.s32 $0x1, s13  }
0x245: {  	p2 =	slt.u32 s13, $0x177  }
.Ltmp51:
0x246: {  	_ = 	snop;
	(pc) =	sbr.rel @p2 .LBB2_146-.Ltmp51, $4  }
0x247: {  	_ = 	snop  }
0x248: {  	s14 =	sand.u32 $0x70, s8;
	s16 =	sand.u32 $0xFC00, s9  }
0x249: {  	s14 =	sor.u32 s14, s16  }
0x24a: {  	s9 =	sadd.s32 $0x80, s9;
	s8 =	sadd.s32 $0x10, s8;
	[tilespmem:s14+$0x300] =	vst v58  }
.LBB2_68:
0x24b: {  	s8 =	simm.s32 $0x3F0  }
0x24c: {  	[tilespmem:s8+$0xFFFFFF90] =	vst v59  }
0x24d: {  	p2 =	sgt.u32 s0, $0x8;
	[tilespmem:s8+$0x0] =	vst v59  }
.Ltmp52:
0x24e: {  	[tilespmem:s8+$0xFFFFFFF0] =	vst v59;
	(pc) =	sbr.rel @!p2 .LBB2_70-.Ltmp52, $4  }
0x24f: {  	[tilespmem:s8+$0xFFFFFFE0] =	vst v59  }
0x250: {  	[tilespmem:s8+$0xFFFFFFD0] =	vst v59  }
0x251: {  	[tilespmem:s8+$0xFFFFFFC0] =	vst v59  }
0x252: {  	s9 =	simm.s32 $0x8;
	[tilespmem:s8+$0xFFFFFFB0] =	vst v59  }
.LBB2_69:
0x253: {  	s9 =	sadd.s32 $0x8, s9;
	[tilespmem:s8+$0xFFFFFFA0] =	vst v59;
	s8 =	sadd.s32 $0x400, s8  }
0x254: {  	[tilespmem:s8+$0xFFFFFF90] =	vst v59;
	p2 =	slt.u32 s9, s0  }
0x255: {  	[tilespmem:s8+$0x0] =	vst v59  }
.Ltmp53:
0x256: {  	[tilespmem:s8+$0xFFFFFFF0] =	vst v59;
	(pc) =	sbr.rel @p2 .LBB2_69-.Ltmp53, $4  }
0x257: {  	[tilespmem:s8+$0xFFFFFFE0] =	vst v59  }
0x258: {  	[tilespmem:s8+$0xFFFFFFD0] =	vst v59  }
0x259: {  	[tilespmem:s8+$0xFFFFFFC0] =	vst v59  }
0x25a: {  	[tilespmem:s8+$0xFFFFFFB0] =	vst v59  }
.LBB2_70:
.Ltmp54:
0x25b: {  	(pc) =	sbr.rel @p0 .LBB2_72-.Ltmp54, $2  }
0x25c: {  	_ =	sdelay $0x2  }
0x25d: {  	[tilespmem:s8+$0xFFFFFFA0] =	vst v59;
	s8 =	smov.u32 s6;
	s9 =	smov.u32 s24;
	s13 =	smov.u32 s0  }
.LBB2_71:
0x25e: {  	s13 =	sadd.s32 $0x1, s13  }
0x25f: {  	p2 =	slt.u32 s13, s15  }
.Ltmp55:
0x260: {  	_ = 	snop;
	(pc) =	sbr.rel @p2 .LBB2_71-.Ltmp55, $4  }
0x261: {  	_ = 	snop  }
0x262: {  	s14 =	sand.u32 $0x70, s8;
	s16 =	sand.u32 $0x7FFFFC00, s9  }
0x263: {  	s14 =	sor.u32 s14, s16  }
0x264: {  	s9 =	sadd.s32 $0x80, s9;
	s8 =	sadd.s32 $0x10, s8;
	[tilespmem:s14+$0x380] =	vst v59  }
.LBB2_72:
.Ltmp56:
0x265: {  	(pc) =	sbr.rel @p3 .LBB2_82-.Ltmp56, $1  }
0x266: {  	_ =	sdelay $0x3  }
0x267: {  	s9 =	sadd.s32 $0x1, s15  }
0x268: {  	s13 =	rddreg [dreg:$0x11];
	p6 =	slt.u32 s9, s2  }
.Ltmp57:
0x269: {  	s8 =	sadd.s32 s13, s30;
	(pc) =	sbr.rel @!p6 .LBB2_74-.Ltmp57, $4  }
0x26a: {  	v56 =	vadd.s32 s8, v57  }
0x26b: {  	vm0 =	vgt.s32 v56, $0xFFFFFF80  }
0x26c: {  	s25 =	sadd.s32 $0xFFFFF785, s13;
	v61 =	vnsel vm0, $0xFFFFFF80, v56  }
0x26d: {  	p2 =	por $0x0, $0x0;
	p5 =	por $0x0, $0x0;
	s25 =	sand.u32 $0x70, s25;
	vm0 =	vlt.s32 v61, $0x80  }
0x26e: {  	s8 =	sadd.s32 $0x10, s13  }
0x26f: {  	s13 =	sadd.s32 s8, s30  }
0x270: {  	v56 =	vadd.s32 s13, v57;
	s13 =	sadd.s32 $0x1, s9  }
0x271: {  	p6 =	slt.u32 s13, s2  }
.Ltmp58:
0x272: {  	_ = 	snop;
	(pc) =	sbr.rel @!p6 .LBB2_76-.Ltmp58, $4  }
0x273: {  	_ = 	snop  }
0x274: {  	v60 =	vnsel vm0, $0x80, v61;
	vm0 =	vgt.s32 v56, $0xFFFFFF80  }
0x275: {  	s19 =	sadd.s32 $0xFFFFF785, s8;
	v61 =	vnsel vm0, $0xFFFFFF80, v56  }
0x276: {  	p2 =	por $0x1, $0x1;
	v62 =	vadd.s32 $0x80, v60;
	s9 =	sand.u32 $0x70, s19;
	vm0 =	vlt.s32 v61, $0x80  }
0x277: {  	_ = 	snop  }
0x278: {  	s13 =	sadd.s32 $0x1, s13  }
0x279: {  	s8 =	sadd.s32 $0x10, s8;
	p6 =	slt.u32 s13, s2  }
.Ltmp59:
0x27a: {  	v63 =	vnsel vm0, $0x80, v61;
	s14 =	sadd.s32 s8, s30;
	(pc) =	sbr.rel @!p6 .LBB2_78-.Ltmp59, $4  }
0x27b: {  	v60 =	vld.idx.msk [tilespmem:v62+s5+$0x0], $0xffff;
	v62 =	vadd.s32 $0x80, v63;
	v56 =	vadd.s32 s14, v57  }
0x27c: {  	vm0 =	vgt.s32 v56, $0xFFFFFF80  }
0x27d: {  	s16 =	sand.u32 $0xFFFFFC00, s18;
	p5 =	por $0x1, $0x1;
	s19 =	sadd.s32 $0xFFFFF785, s8;
	v61 =	vnsel vm0, $0xFFFFFF80, v56  }
0x27e: {  	s19 =	sand.u32 $0x70, s19;
	s14 =	sor.u32 s25, s16;
	s16 =	smov.u32 s18;
	vm0 =	vlt.s32 v61, $0x80  }
.LBB2_79:
0x27f: {  	s13 =	sadd.s32 $0x1, s13  }
0x280: {  	v56 =	vnsel vm0, $0x80, v61;
	s8 =	sadd.s32 $0x10, s8;
	[tilespmem:s14+$0x380] =	vst v60;
	v60 =	vld.idx.msk [tilespmem:v62+s5+$0x0], $0xffff;
	s16 =	sadd.s32 $0x80, s16;
	p6 =	slt.u32 s13, s2  }
.Ltmp60:
0x281: {  	s14 =	sadd.s32 $0xFFFFF785, s8;
	s25 =	sadd.s32 s8, s30;
	v62 =	vadd.s32 $0x80, v56;
	(pc) =	sbr.rel @p6 .LBB2_79-.Ltmp60, $4  }
0x282: {  	v56 =	vadd.s32 s25, v57;
	s25 =	sand.u32 $0x70, s14  }
0x283: {  	vm0 =	vgt.s32 v56, $0xFFFFFF80  }
0x284: {  	s14 =	sand.u32 $0xFFFFFC00, s16;
	v61 =	vnsel vm0, $0xFFFFFF80, v56  }
0x285: {  	s14 =	sor.u32 s9, s14;
	s9 =	smov.u32 s19;
	s19 =	smov.u32 s25;
	vm0 =	vlt.s32 v61, $0x80  }
0x286: {  	s8 =	smov.u32 s9;
	s25 =	smov.u32 s19  }
.LBB2_81:
0x287: {  	v56 =	vnsel vm0, $0x80, v61  }
0x288: {  	v56 =	vadd.s32 $0x80, v56;
	_ =	sdelay $0x2  }
0x289: {  	v61 =	vld.idx.msk @p2 [tilespmem:v62+s5+$0x0], $0xffff  }
0x28a: {  	s9 =	sadd.s32 @p5 $0x80, s16;
	s13 =	smov.u32 s18  }
0x28b: {  	s13 =	smov.u32 @p5 s9;
	v56 =	vld.idx.msk [tilespmem:v56+s5+$0x0], $0xffff  }
0x28c: {  	s16 =	smov.u32 s18;
	s9 =	sand.u32 @p2 $0xFFFFFC00, s13;
	s13 =	sadd.s32 @p2 $0x80, s13  }
0x28d: {  	s8 =	sor.u32 @p2 s8, s9;
	s16 =	smov.u32 @p2 s13  }
0x28e: {  	[tilespmem:s14+$0x380] =	vst @p5 v60;
	s8 =	smov.u32 @p2 s8;
	s19 =	sand.u32 $0xFFFFFC00, s16;
	v60 =	vpsel p2, v61, v0  }
0x28f: {  	s25 =	sor.u32 s25, s19;
	[tilespmem:s8+$0x380] =	vst @p2 v60  }
0x290: {  	[tilespmem:s25+$0x380] =	vst v56  }
.LBB2_82:
0x291: {  	_ =	sdelay $0x2  }
0x292: {  	s8 =	simm.s32 $0x180  }
0x293: {  	s9 =	sadd.s32 $0x8, s2;
	[tilespmem:v32+s8+$0x0 ss:$0x1] =	vst.idx.msk $0xffff, v58  }
0x294: {  	[tilespmem:v39+s8+$0x0 ss:$0x1] =	vst.idx.msk $0xffff, v58;
	p2 =	slt.u32 s9, s11  }
.Ltmp61:
0x295: {  	[tilespmem:v38+s8+$0x0 ss:$0x1] =	vst.idx.msk $0xffff, v58;
	(pc) =	sbr.rel @!p2 .LBB2_84-.Ltmp61, $4  }
0x296: {  	[tilespmem:v37+s8+$0x0 ss:$0x1] =	vst.idx.msk $0xffff, v58  }
0x297: {  	[tilespmem:v36+s8+$0x0 ss:$0x1] =	vst.idx.msk $0xffff, v58  }
0x298: {  	[tilespmem:v35+s8+$0x0 ss:$0x1] =	vst.idx.msk $0xffff, v58  }
0x299: {  	[tilespmem:v34+s8+$0x0 ss:$0x1] =	vst.idx.msk $0xffff, v58  }
.LBB2_83:
0x29a: {  	s9 =	sadd.s32 $0x8, s9;
	[tilespmem:v33+s8+$0x0 ss:$0x1] =	vst.idx.msk $0xffff, v58;
	s8 =	sadd.s32 $0x400, s8  }
0x29b: {  	[tilespmem:v32+s8+$0x0 ss:$0x1] =	vst.idx.msk $0xffff, v58;
	p2 =	slt.u32 s9, s11  }
0x29c: {  	[tilespmem:v39+s8+$0x0 ss:$0x1] =	vst.idx.msk $0xffff, v58  }
.Ltmp62:
0x29d: {  	[tilespmem:v38+s8+$0x0 ss:$0x1] =	vst.idx.msk $0xffff, v58;
	(pc) =	sbr.rel @p2 .LBB2_83-.Ltmp62, $4  }
0x29e: {  	[tilespmem:v37+s8+$0x0 ss:$0x1] =	vst.idx.msk $0xffff, v58  }
0x29f: {  	[tilespmem:v36+s8+$0x0 ss:$0x1] =	vst.idx.msk $0xffff, v58  }
0x2a0: {  	[tilespmem:v35+s8+$0x0 ss:$0x1] =	vst.idx.msk $0xffff, v58  }
0x2a1: {  	[tilespmem:v34+s8+$0x0 ss:$0x1] =	vst.idx.msk $0xffff, v58  }
.LBB2_84:
0x2a2: {  	_ = 	snop  }
.Ltmp63:
0x2a3: {  	_ = 	snop;
	(pc) =	sbr.rel @!p4 .LBB2_85-.Ltmp63, $3  }
0x2a4: {  	_ =	sdelay $0x1  }
0x2a5: {  	[tilespmem:v33+s8+$0x0 ss:$0x1] =	vst.idx.msk $0xffff, v58  }
0x2a6: {  	s8 =	smov.u32 s20;
	s13 =	smov.u32 s28;
	s9 =	rddreg [dreg:$0xc]  }
.LBB2_147:
0x2a7: {  	s13 =	sadd.s32 $0x1, s13  }
0x2a8: {  	p2 =	slt.u32 s13, $0x177  }
.Ltmp64:
0x2a9: {  	_ = 	snop;
	(pc) =	sbr.rel @p2 .LBB2_147-.Ltmp64, $4  }
0x2aa: {  	_ = 	snop  }
0x2ab: {  	s14 =	sand.u32 $0x70, s8;
	s16 =	sand.u32 $0xFC00, s9  }
0x2ac: {  	s14 =	sor.u32 s14, s16  }
0x2ad: {  	s9 =	sadd.s32 $0x80, s9;
	s8 =	sadd.s32 $0x10, s8;
	[tilespmem:s14+$0x380] =	vst v58  }
.LBB2_85:
0x2ae: {  	s8 =	simm.s32 $0x470  }
0x2af: {  	[tilespmem:s8+$0xFFFFFF90] =	vst v59  }
0x2b0: {  	p2 =	sgt.u32 s0, $0x8;
	[tilespmem:s8+$0x0] =	vst v59  }
.Ltmp65:
0x2b1: {  	[tilespmem:s8+$0xFFFFFFF0] =	vst v59;
	(pc) =	sbr.rel @!p2 .LBB2_87-.Ltmp65, $4  }
0x2b2: {  	[tilespmem:s8+$0xFFFFFFE0] =	vst v59  }
0x2b3: {  	[tilespmem:s8+$0xFFFFFFD0] =	vst v59  }
0x2b4: {  	[tilespmem:s8+$0xFFFFFFC0] =	vst v59  }
0x2b5: {  	s9 =	simm.s32 $0x8;
	[tilespmem:s8+$0xFFFFFFB0] =	vst v59  }
.LBB2_86:
0x2b6: {  	s9 =	sadd.s32 $0x8, s9;
	[tilespmem:s8+$0xFFFFFFA0] =	vst v59;
	s8 =	sadd.s32 $0x400, s8  }
0x2b7: {  	[tilespmem:s8+$0xFFFFFF90] =	vst v59;
	p2 =	slt.u32 s9, s0  }
0x2b8: {  	[tilespmem:s8+$0x0] =	vst v59  }
.Ltmp66:
0x2b9: {  	[tilespmem:s8+$0xFFFFFFF0] =	vst v59;
	(pc) =	sbr.rel @p2 .LBB2_86-.Ltmp66, $4  }
0x2ba: {  	[tilespmem:s8+$0xFFFFFFE0] =	vst v59  }
0x2bb: {  	[tilespmem:s8+$0xFFFFFFD0] =	vst v59  }
0x2bc: {  	[tilespmem:s8+$0xFFFFFFC0] =	vst v59  }
0x2bd: {  	[tilespmem:s8+$0xFFFFFFB0] =	vst v59  }
.LBB2_87:
.Ltmp67:
0x2be: {  	(pc) =	sbr.rel @p0 .LBB2_89-.Ltmp67, $2  }
0x2bf: {  	_ =	sdelay $0x2  }
0x2c0: {  	[tilespmem:s8+$0xFFFFFFA0] =	vst v59;
	s8 =	smov.u32 s6;
	s9 =	smov.u32 s24;
	s13 =	smov.u32 s0  }
.LBB2_88:
0x2c1: {  	s13 =	sadd.s32 $0x1, s13  }
0x2c2: {  	p2 =	slt.u32 s13, s15  }
.Ltmp68:
0x2c3: {  	_ = 	snop;
	(pc) =	sbr.rel @p2 .LBB2_88-.Ltmp68, $4  }
0x2c4: {  	_ = 	snop  }
0x2c5: {  	s14 =	sand.u32 $0x70, s8;
	s16 =	sand.u32 $0x7FFFFC00, s9  }
0x2c6: {  	s14 =	sor.u32 s14, s16  }
0x2c7: {  	s9 =	sadd.s32 $0x80, s9;
	s8 =	sadd.s32 $0x10, s8;
	[tilespmem:s14+$0x400] =	vst v59  }
.LBB2_89:
.Ltmp69:
0x2c8: {  	(pc) =	sbr.rel @p3 .LBB2_99-.Ltmp69, $1  }
0x2c9: {  	_ =	sdelay $0x3  }
0x2ca: {  	s9 =	sadd.s32 $0x1, s15  }
0x2cb: {  	s13 =	rddreg [dreg:$0x12];
	p6 =	slt.u32 s9, s2  }
.Ltmp70:
0x2cc: {  	s8 =	sadd.s32 s13, s30;
	(pc) =	sbr.rel @!p6 .LBB2_91-.Ltmp70, $4  }
0x2cd: {  	v56 =	vadd.s32 s8, v57  }
0x2ce: {  	vm0 =	vgt.s32 v56, $0xFFFFFF80  }
0x2cf: {  	s25 =	sadd.s32 $0xFFFFF786, s13;
	v61 =	vnsel vm0, $0xFFFFFF80, v56  }
0x2d0: {  	p2 =	por $0x0, $0x0;
	p5 =	por $0x0, $0x0;
	s25 =	sand.u32 $0x70, s25;
	vm0 =	vlt.s32 v61, $0x80  }
0x2d1: {  	s8 =	sadd.s32 $0x10, s13  }
0x2d2: {  	s13 =	sadd.s32 s8, s30  }
0x2d3: {  	v56 =	vadd.s32 s13, v57;
	s13 =	sadd.s32 $0x1, s9  }
0x2d4: {  	p6 =	slt.u32 s13, s2  }
.Ltmp71:
0x2d5: {  	_ = 	snop;
	(pc) =	sbr.rel @!p6 .LBB2_93-.Ltmp71, $4  }
0x2d6: {  	_ = 	snop  }
0x2d7: {  	v60 =	vnsel vm0, $0x80, v61;
	vm0 =	vgt.s32 v56, $0xFFFFFF80  }
0x2d8: {  	s19 =	sadd.s32 $0xFFFFF786, s8;
	v61 =	vnsel vm0, $0xFFFFFF80, v56  }
0x2d9: {  	p2 =	por $0x1, $0x1;
	v62 =	vadd.s32 $0x80, v60;
	s9 =	sand.u32 $0x70, s19;
	vm0 =	vlt.s32 v61, $0x80  }
0x2da: {  	_ = 	snop  }
0x2db: {  	s13 =	sadd.s32 $0x1, s13  }
0x2dc: {  	s8 =	sadd.s32 $0x10, s8;
	p6 =	slt.u32 s13, s2  }
.Ltmp72:
0x2dd: {  	v63 =	vnsel vm0, $0x80, v61;
	s14 =	sadd.s32 s8, s30;
	(pc) =	sbr.rel @!p6 .LBB2_95-.Ltmp72, $4  }
0x2de: {  	v60 =	vld.idx.msk [tilespmem:v62+s5+$0x0], $0xffff;
	v62 =	vadd.s32 $0x80, v63;
	v56 =	vadd.s32 s14, v57  }
0x2df: {  	vm0 =	vgt.s32 v56, $0xFFFFFF80  }
0x2e0: {  	s16 =	sand.u32 $0xFFFFFC00, s18;
	p5 =	por $0x1, $0x1;
	s19 =	sadd.s32 $0xFFFFF786, s8;
	v61 =	vnsel vm0, $0xFFFFFF80, v56  }
0x2e1: {  	s19 =	sand.u32 $0x70, s19;
	s14 =	sor.u32 s25, s16;
	s16 =	smov.u32 s18;
	vm0 =	vlt.s32 v61, $0x80  }
.LBB2_96:
0x2e2: {  	s13 =	sadd.s32 $0x1, s13  }
0x2e3: {  	v56 =	vnsel vm0, $0x80, v61;
	s8 =	sadd.s32 $0x10, s8;
	[tilespmem:s14+$0x400] =	vst v60;
	v60 =	vld.idx.msk [tilespmem:v62+s5+$0x0], $0xffff;
	s16 =	sadd.s32 $0x80, s16;
	p6 =	slt.u32 s13, s2  }
.Ltmp73:
0x2e4: {  	s14 =	sadd.s32 $0xFFFFF786, s8;
	s25 =	sadd.s32 s8, s30;
	v62 =	vadd.s32 $0x80, v56;
	(pc) =	sbr.rel @p6 .LBB2_96-.Ltmp73, $4  }
0x2e5: {  	v56 =	vadd.s32 s25, v57;
	s25 =	sand.u32 $0x70, s14  }
0x2e6: {  	vm0 =	vgt.s32 v56, $0xFFFFFF80  }
0x2e7: {  	s14 =	sand.u32 $0xFFFFFC00, s16;
	v61 =	vnsel vm0, $0xFFFFFF80, v56  }
0x2e8: {  	s14 =	sor.u32 s9, s14;
	s9 =	smov.u32 s19;
	s19 =	smov.u32 s25;
	vm0 =	vlt.s32 v61, $0x80  }
0x2e9: {  	s8 =	smov.u32 s9;
	s25 =	smov.u32 s19  }
.LBB2_98:
0x2ea: {  	v56 =	vnsel vm0, $0x80, v61  }
0x2eb: {  	v56 =	vadd.s32 $0x80, v56;
	_ =	sdelay $0x2  }
0x2ec: {  	v61 =	vld.idx.msk @p2 [tilespmem:v62+s5+$0x0], $0xffff  }
0x2ed: {  	s9 =	sadd.s32 @p5 $0x80, s16;
	s13 =	smov.u32 s18  }
0x2ee: {  	s13 =	smov.u32 @p5 s9;
	v56 =	vld.idx.msk [tilespmem:v56+s5+$0x0], $0xffff  }
0x2ef: {  	s16 =	smov.u32 s18;
	s9 =	sand.u32 @p2 $0xFFFFFC00, s13;
	s13 =	sadd.s32 @p2 $0x80, s13  }
0x2f0: {  	s8 =	sor.u32 @p2 s8, s9;
	s16 =	smov.u32 @p2 s13  }
0x2f1: {  	[tilespmem:s14+$0x400] =	vst @p5 v60;
	s8 =	smov.u32 @p2 s8;
	s19 =	sand.u32 $0xFFFFFC00, s16;
	v60 =	vpsel p2, v61, v0  }
0x2f2: {  	s25 =	sor.u32 s25, s19;
	[tilespmem:s8+$0x400] =	vst @p2 v60  }
0x2f3: {  	[tilespmem:s25+$0x400] =	vst v56  }
.LBB2_99:
0x2f4: {  	_ =	sdelay $0x2  }
0x2f5: {  	s8 =	simm.s32 $0x180  }
0x2f6: {  	s9 =	sadd.s32 $0x8, s2;
	[tilespmem:v40+s8+$0x0 ss:$0x1] =	vst.idx.msk $0xffff, v58  }
0x2f7: {  	[tilespmem:v47+s8+$0x0 ss:$0x1] =	vst.idx.msk $0xffff, v58;
	p2 =	slt.u32 s9, s11  }
.Ltmp74:
0x2f8: {  	[tilespmem:v46+s8+$0x0 ss:$0x1] =	vst.idx.msk $0xffff, v58;
	(pc) =	sbr.rel @!p2 .LBB2_101-.Ltmp74, $4  }
0x2f9: {  	[tilespmem:v45+s8+$0x0 ss:$0x1] =	vst.idx.msk $0xffff, v58  }
0x2fa: {  	[tilespmem:v44+s8+$0x0 ss:$0x1] =	vst.idx.msk $0xffff, v58  }
0x2fb: {  	[tilespmem:v43+s8+$0x0 ss:$0x1] =	vst.idx.msk $0xffff, v58  }
0x2fc: {  	[tilespmem:v42+s8+$0x0 ss:$0x1] =	vst.idx.msk $0xffff, v58  }
.LBB2_100:
0x2fd: {  	s9 =	sadd.s32 $0x8, s9;
	[tilespmem:v41+s8+$0x0 ss:$0x1] =	vst.idx.msk $0xffff, v58;
	s8 =	sadd.s32 $0x400, s8  }
0x2fe: {  	[tilespmem:v40+s8+$0x0 ss:$0x1] =	vst.idx.msk $0xffff, v58;
	p2 =	slt.u32 s9, s11  }
0x2ff: {  	[tilespmem:v47+s8+$0x0 ss:$0x1] =	vst.idx.msk $0xffff, v58  }
.Ltmp75:
0x300: {  	[tilespmem:v46+s8+$0x0 ss:$0x1] =	vst.idx.msk $0xffff, v58;
	(pc) =	sbr.rel @p2 .LBB2_100-.Ltmp75, $4  }
0x301: {  	[tilespmem:v45+s8+$0x0 ss:$0x1] =	vst.idx.msk $0xffff, v58  }
0x302: {  	[tilespmem:v44+s8+$0x0 ss:$0x1] =	vst.idx.msk $0xffff, v58  }
0x303: {  	[tilespmem:v43+s8+$0x0 ss:$0x1] =	vst.idx.msk $0xffff, v58  }
0x304: {  	[tilespmem:v42+s8+$0x0 ss:$0x1] =	vst.idx.msk $0xffff, v58  }
.LBB2_101:
0x305: {  	_ = 	snop  }
.Ltmp76:
0x306: {  	_ = 	snop;
	(pc) =	sbr.rel @!p4 .LBB2_102-.Ltmp76, $3  }
0x307: {  	_ =	sdelay $0x1  }
0x308: {  	[tilespmem:v41+s8+$0x0 ss:$0x1] =	vst.idx.msk $0xffff, v58  }
0x309: {  	s8 =	smov.u32 s20;
	s13 =	smov.u32 s28;
	s9 =	rddreg [dreg:$0xc]  }
.LBB2_148:
0x30a: {  	s13 =	sadd.s32 $0x1, s13  }
0x30b: {  	p2 =	slt.u32 s13, $0x177  }
.Ltmp77:
0x30c: {  	_ = 	snop;
	(pc) =	sbr.rel @p2 .LBB2_148-.Ltmp77, $4  }
0x30d: {  	_ = 	snop  }
0x30e: {  	s14 =	sand.u32 $0x70, s8;
	s16 =	sand.u32 $0xFC00, s9  }
0x30f: {  	s14 =	sor.u32 s14, s16  }
0x310: {  	s9 =	sadd.s32 $0x80, s9;
	s8 =	sadd.s32 $0x10, s8;
	[tilespmem:s14+$0x400] =	vst v58  }
.LBB2_102:
0x311: {  	s8 =	simm.s32 $0x4F0  }
0x312: {  	[tilespmem:s8+$0xFFFFFF90] =	vst v59  }
0x313: {  	p2 =	sgt.u32 s0, $0x8;
	[tilespmem:s8+$0x0] =	vst v59  }
.Ltmp78:
0x314: {  	[tilespmem:s8+$0xFFFFFFF0] =	vst v59;
	(pc) =	sbr.rel @!p2 .LBB2_104-.Ltmp78, $4  }
0x315: {  	[tilespmem:s8+$0xFFFFFFE0] =	vst v59  }
0x316: {  	[tilespmem:s8+$0xFFFFFFD0] =	vst v59  }
0x317: {  	[tilespmem:s8+$0xFFFFFFC0] =	vst v59  }
0x318: {  	s9 =	simm.s32 $0x8;
	[tilespmem:s8+$0xFFFFFFB0] =	vst v59  }
.LBB2_103:
0x319: {  	s9 =	sadd.s32 $0x8, s9;
	[tilespmem:s8+$0xFFFFFFA0] =	vst v59;
	s8 =	sadd.s32 $0x400, s8  }
0x31a: {  	[tilespmem:s8+$0xFFFFFF90] =	vst v59;
	p2 =	slt.u32 s9, s0  }
0x31b: {  	[tilespmem:s8+$0x0] =	vst v59  }
.Ltmp79:
0x31c: {  	[tilespmem:s8+$0xFFFFFFF0] =	vst v59;
	(pc) =	sbr.rel @p2 .LBB2_103-.Ltmp79, $4  }
0x31d: {  	[tilespmem:s8+$0xFFFFFFE0] =	vst v59  }
0x31e: {  	[tilespmem:s8+$0xFFFFFFD0] =	vst v59  }
0x31f: {  	[tilespmem:s8+$0xFFFFFFC0] =	vst v59  }
0x320: {  	[tilespmem:s8+$0xFFFFFFB0] =	vst v59  }
.LBB2_104:
.Ltmp80:
0x321: {  	(pc) =	sbr.rel @p0 .LBB2_106-.Ltmp80, $2  }
0x322: {  	_ =	sdelay $0x2  }
0x323: {  	[tilespmem:s8+$0xFFFFFFA0] =	vst v59;
	s8 =	smov.u32 s6;
	s9 =	smov.u32 s24;
	s13 =	smov.u32 s0  }
.LBB2_105:
0x324: {  	s13 =	sadd.s32 $0x1, s13  }
0x325: {  	p2 =	slt.u32 s13, s15  }
.Ltmp81:
0x326: {  	_ = 	snop;
	(pc) =	sbr.rel @p2 .LBB2_105-.Ltmp81, $4  }
0x327: {  	_ = 	snop  }
0x328: {  	s14 =	sand.u32 $0x70, s8;
	s16 =	sand.u32 $0x7FFFFC00, s9  }
0x329: {  	s14 =	sor.u32 s14, s16  }
0x32a: {  	s9 =	sadd.s32 $0x80, s9;
	s8 =	sadd.s32 $0x10, s8;
	[tilespmem:s14+$0x480] =	vst v59  }
.LBB2_106:
.Ltmp82:
0x32b: {  	(pc) =	sbr.rel @p3 .LBB2_116-.Ltmp82, $2  }
0x32c: {  	_ =	sdelay $0x2  }
0x32d: {  	s6 =	rddreg [dreg:$0x13]  }
0x32e: {  	s9 =	sadd.s32 $0x1, s15  }
0x32f: {  	p6 =	slt.u32 s9, s2  }
.Ltmp83:
0x330: {  	s8 =	sadd.s32 s6, s30;
	(pc) =	sbr.rel @!p6 .LBB2_108-.Ltmp83, $4  }
0x331: {  	v56 =	vadd.s32 s8, v57  }
0x332: {  	vm0 =	vgt.s32 v56, $0xFFFFFF80  }
0x333: {  	s25 =	sadd.s32 $0xFFFFF787, s6;
	v61 =	vnsel vm0, $0xFFFFFF80, v56  }
0x334: {  	p2 =	por $0x0, $0x0;
	p5 =	por $0x0, $0x0;
	s25 =	sand.u32 $0x70, s25;
	vm0 =	vlt.s32 v61, $0x80  }
0x335: {  	s8 =	sadd.s32 $0x10, s6  }
0x336: {  	s13 =	sadd.s32 s8, s30  }
0x337: {  	v56 =	vadd.s32 s13, v57;
	s13 =	sadd.s32 $0x1, s9  }
0x338: {  	p6 =	slt.u32 s13, s2  }
.Ltmp84:
0x339: {  	_ = 	snop;
	(pc) =	sbr.rel @!p6 .LBB2_110-.Ltmp84, $4  }
0x33a: {  	_ = 	snop  }
0x33b: {  	v60 =	vnsel vm0, $0x80, v61;
	vm0 =	vgt.s32 v56, $0xFFFFFF80  }
0x33c: {  	s19 =	sadd.s32 $0xFFFFF787, s8;
	v61 =	vnsel vm0, $0xFFFFFF80, v56  }
0x33d: {  	p2 =	por $0x1, $0x1;
	v62 =	vadd.s32 $0x80, v60;
	s9 =	sand.u32 $0x70, s19;
	vm0 =	vlt.s32 v61, $0x80  }
0x33e: {  	_ = 	snop  }
0x33f: {  	s13 =	sadd.s32 $0x1, s13  }
0x340: {  	s8 =	sadd.s32 $0x10, s8;
	p6 =	slt.u32 s13, s2  }
.Ltmp85:
0x341: {  	v63 =	vnsel vm0, $0x80, v61;
	s14 =	sadd.s32 s8, s30;
	(pc) =	sbr.rel @!p6 .LBB2_112-.Ltmp85, $4  }
0x342: {  	v60 =	vld.idx.msk [tilespmem:v62+s5+$0x0], $0xffff;
	v62 =	vadd.s32 $0x80, v63;
	v56 =	vadd.s32 s14, v57  }
0x343: {  	vm0 =	vgt.s32 v56, $0xFFFFFF80  }
0x344: {  	s16 =	sand.u32 $0xFFFFFC00, s18;
	p5 =	por $0x1, $0x1;
	s19 =	sadd.s32 $0xFFFFF787, s8;
	v61 =	vnsel vm0, $0xFFFFFF80, v56  }
0x345: {  	s19 =	sand.u32 $0x70, s19;
	s14 =	sor.u32 s25, s16;
	s16 =	smov.u32 s18;
	vm0 =	vlt.s32 v61, $0x80  }
.LBB2_113:
0x346: {  	s13 =	sadd.s32 $0x1, s13  }
0x347: {  	v56 =	vnsel vm0, $0x80, v61;
	s8 =	sadd.s32 $0x10, s8;
	[tilespmem:s14+$0x480] =	vst v60;
	v60 =	vld.idx.msk [tilespmem:v62+s5+$0x0], $0xffff;
	s16 =	sadd.s32 $0x80, s16;
	p6 =	slt.u32 s13, s2  }
.Ltmp86:
0x348: {  	s14 =	sadd.s32 $0xFFFFF787, s8;
	s25 =	sadd.s32 s8, s30;
	v62 =	vadd.s32 $0x80, v56;
	(pc) =	sbr.rel @p6 .LBB2_113-.Ltmp86, $4  }
0x349: {  	v56 =	vadd.s32 s25, v57;
	s25 =	sand.u32 $0x70, s14  }
0x34a: {  	vm0 =	vgt.s32 v56, $0xFFFFFF80  }
0x34b: {  	s14 =	sand.u32 $0xFFFFFC00, s16;
	v61 =	vnsel vm0, $0xFFFFFF80, v56  }
0x34c: {  	s14 =	sor.u32 s9, s14;
	s9 =	smov.u32 s19;
	s19 =	smov.u32 s25;
	vm0 =	vlt.s32 v61, $0x80  }
0x34d: {  	s8 =	smov.u32 s9;
	s25 =	smov.u32 s19  }
.LBB2_115:
0x34e: {  	v56 =	vnsel vm0, $0x80, v61  }
0x34f: {  	v56 =	vadd.s32 $0x80, v56;
	_ =	sdelay $0x2  }
0x350: {  	v61 =	vld.idx.msk @p2 [tilespmem:v62+s5+$0x0], $0xffff  }
0x351: {  	s9 =	sadd.s32 @p5 $0x80, s16;
	s13 =	smov.u32 s18  }
0x352: {  	s13 =	smov.u32 @p5 s9;
	v56 =	vld.idx.msk [tilespmem:v56+s5+$0x0], $0xffff  }
0x353: {  	s16 =	smov.u32 s18;
	s9 =	sand.u32 @p2 $0xFFFFFC00, s13;
	s13 =	sadd.s32 @p2 $0x80, s13  }
0x354: {  	s8 =	sor.u32 @p2 s8, s9;
	s16 =	smov.u32 @p2 s13  }
0x355: {  	[tilespmem:s14+$0x480] =	vst @p5 v60;
	s8 =	smov.u32 @p2 s8;
	s19 =	sand.u32 $0xFFFFFC00, s16;
	v60 =	vpsel p2, v61, v0  }
0x356: {  	s25 =	sor.u32 s25, s19;
	[tilespmem:s8+$0x480] =	vst @p2 v60  }
0x357: {  	[tilespmem:s25+$0x480] =	vst v56  }
.LBB2_116:
0x358: {  	_ =	sdelay $0x2  }
0x359: {  	s8 =	simm.s32 $0x180  }
0x35a: {  	[tilespmem:v48+s8+$0x0 ss:$0x1] =	vst.idx.msk $0xffff, v58  }
0x35b: {  	s9 =	sadd.s32 $0x8, s2;
	[tilespmem:v55+s8+$0x0 ss:$0x1] =	vst.idx.msk $0xffff, v58  }
0x35c: {  	[tilespmem:v54+s8+$0x0 ss:$0x1] =	vst.idx.msk $0xffff, v58;
	p2 =	slt.u32 s9, s11  }
.Ltmp87:
0x35d: {  	[tilespmem:v53+s8+$0x0 ss:$0x1] =	vst.idx.msk $0xffff, v58;
	(pc) =	sbr.rel @!p2 .LBB2_118-.Ltmp87, $4  }
0x35e: {  	[tilespmem:v52+s8+$0x0 ss:$0x1] =	vst.idx.msk $0xffff, v58  }
0x35f: {  	[tilespmem:v51+s8+$0x0 ss:$0x1] =	vst.idx.msk $0xffff, v58  }
0x360: {  	[tilespmem:v50+s8+$0x0 ss:$0x1] =	vst.idx.msk $0xffff, v58  }
0x361: {  	s19 =	rddreg [dreg:$0x15]  }
.LBB2_117:
0x362: {  	s9 =	sadd.s32 $0x8, s9;
	[tilespmem:v49+s8+$0x0 ss:$0x1] =	vst.idx.msk $0xffff, v58;
	s8 =	sadd.s32 $0x400, s8  }
0x363: {  	[tilespmem:v48+s8+$0x0 ss:$0x1] =	vst.idx.msk $0xffff, v58;
	p2 =	slt.u32 s9, s11  }
0x364: {  	[tilespmem:v55+s8+$0x0 ss:$0x1] =	vst.idx.msk $0xffff, v58  }
.Ltmp88:
0x365: {  	[tilespmem:v54+s8+$0x0 ss:$0x1] =	vst.idx.msk $0xffff, v58;
	(pc) =	sbr.rel @p2 .LBB2_117-.Ltmp88, $4  }
0x366: {  	[tilespmem:v53+s8+$0x0 ss:$0x1] =	vst.idx.msk $0xffff, v58  }
0x367: {  	[tilespmem:v52+s8+$0x0 ss:$0x1] =	vst.idx.msk $0xffff, v58  }
0x368: {  	[tilespmem:v51+s8+$0x0 ss:$0x1] =	vst.idx.msk $0xffff, v58  }
0x369: {  	[tilespmem:v50+s8+$0x0 ss:$0x1] =	vst.idx.msk $0xffff, v58  }
.LBB2_118:
0x36a: {  	_ =	sdelay $0x3  }
0x36b: {  	[tilespmem:v49+s8+$0x0 ss:$0x1] =	vst.idx.msk $0xffff, v58  }
0x36c: {  	s6 =	sld [smem:$0x7FC];
	_ =	sdelay $0x2  }
0x36d: {  	p2 =	seq.s32 s6, $0x1  }
.Ltmp89:
0x36e: {  	_ = 	snop;
	(pc) =	sbr.rel @p2 .LBB2_120-.Ltmp89, $2  }
0x36f: {  	_ =	sdelay $0x2  }
0x370: {  	s8 =	smov.u32 s20;
	s13 =	smov.u32 s28;
	s9 =	rddreg [dreg:$0xc]  }
.LBB2_119:
0x371: {  	s13 =	sadd.s32 $0x1, s13  }
0x372: {  	p2 =	slt.u32 s13, $0x177  }
.Ltmp90:
0x373: {  	_ = 	snop;
	(pc) =	sbr.rel @p2 .LBB2_119-.Ltmp90, $4  }
0x374: {  	_ = 	snop  }
0x375: {  	s14 =	sand.u32 $0x70, s8;
	s16 =	sand.u32 $0xFC00, s9  }
0x376: {  	s14 =	sor.u32 s14, s16  }
0x377: {  	s9 =	sadd.s32 $0x80, s9;
	s8 =	sadd.s32 $0x10, s8;
	[tilespmem:s14+$0x480] =	vst v58  }
.LBB2_120:
0x378: {  	s8 =	simm.s32 $0x570  }
0x379: {  	[tilespmem:s8+$0xFFFFFF90] =	vst v59  }
0x37a: {  	p2 =	sgt.u32 s23, $0x8;
	[tilespmem:s8+$0x0] =	vst v59  }
.Ltmp91:
0x37b: {  	[tilespmem:s8+$0xFFFFFFF0] =	vst v59;
	(pc) =	sbr.rel @!p2 .LBB2_122-.Ltmp91, $4  }
0x37c: {  	[tilespmem:s8+$0xFFFFFFE0] =	vst v59  }
0x37d: {  	[tilespmem:s8+$0xFFFFFFD0] =	vst v59  }
0x37e: {  	[tilespmem:s8+$0xFFFFFFC0] =	vst v59  }
0x37f: {  	s9 =	simm.s32 $0x8;
	[tilespmem:s8+$0xFFFFFFB0] =	vst v59  }
.LBB2_121:
0x380: {  	s9 =	sadd.s32 $0x8, s9;
	[tilespmem:s8+$0xFFFFFFA0] =	vst v59;
	s8 =	sadd.s32 $0x400, s8  }
0x381: {  	[tilespmem:s8+$0xFFFFFF90] =	vst v59;
	p2 =	slt.u32 s9, s23  }
0x382: {  	[tilespmem:s8+$0x0] =	vst v59  }
.Ltmp92:
0x383: {  	[tilespmem:s8+$0xFFFFFFF0] =	vst v59;
	(pc) =	sbr.rel @p2 .LBB2_121-.Ltmp92, $4  }
0x384: {  	[tilespmem:s8+$0xFFFFFFE0] =	vst v59  }
0x385: {  	[tilespmem:s8+$0xFFFFFFD0] =	vst v59  }
0x386: {  	[tilespmem:s8+$0xFFFFFFC0] =	vst v59  }
0x387: {  	[tilespmem:s8+$0xFFFFFFB0] =	vst v59  }
.LBB2_122:
0x388: {  	[tilespmem:s8+$0xFFFFFFA0] =	vst v59  }
0x389: {  	s6 =	sld [smem:$0x7FD];
	_ =	sdelay $0x2  }
0x38a: {  	p2 =	seq.s32 s6, $0x1  }
.Ltmp93:
0x38b: {  	_ = 	snop;
	(pc) =	sbr.rel @p2 .LBB2_125-.Ltmp93, $1  }
0x38c: {  	_ =	sdelay $0x3  }
0x38d: {  	s8 =	simm.s32 $0x0;
	s9 =	rddreg [dreg:$0x14];
	s13 =	smov.u32 s23  }
.LBB2_124:
0x38e: {  	s13 =	sadd.s32 $0x1, s13  }
0x38f: {  	p2 =	slt.u32 s13, s19  }
.Ltmp94:
0x390: {  	s14 =	sand.u32 $0x7, s8;
	(pc) =	sbr.rel @p2 .LBB2_124-.Ltmp94, $4  }
0x391: {  	s14 =	sshll.u32 s14, $0x4  }
0x392: {  	s14 =	sadd.s32 s14, s9  }
0x393: {  	s14 =	sor.u32 $0x380, s14  }
0x394: {  	s8 =	sadd.s32 $0x1, s8;
	s9 =	sadd.s32 $0x80, s9;
	[tilespmem:s14+$0x180] =	vst v59  }
.LBB2_125:
.Ltmp95:
0x395: {  	(pc) =	sbr.rel @p1 .LBB2_134-.Ltmp95, $1  }
0x396: {  	_ =	sdelay $0x3  }
0x397: {  	s9 =	sadd.s32 $0x1, s19  }
0x398: {  	s6 =	rddreg [dreg:$0x16];
	p6 =	slt.u32 s9, s2  }
.Ltmp96:
0x399: {  	s8 =	sadd.s32 s6, s31;
	(pc) =	sbr.rel @!p6 .LBB2_127-.Ltmp96, $4  }
0x39a: {  	v56 =	vadd.s32 s8, v57  }
0x39b: {  	vm0 =	vgt.s32 v56, $0xFFFFFF80  }
0x39c: {  	v61 =	vnsel vm0, $0xFFFFFF80, v56  }
0x39d: {  	p2 =	por $0x0, $0x0;
	p5 =	por $0x0, $0x0;
	vm0 =	vlt.s32 v61, $0x80  }
0x39e: {  	s9 =	sadd.s32 $0x1, s9  }
0x39f: {  	s8 =	sadd.s32 $0x10, s6;
	p6 =	slt.u32 s9, s2  }
.Ltmp97:
0x3a0: {  	s13 =	sadd.s32 s8, s31;
	(pc) =	sbr.rel @!p6 .LBB2_129-.Ltmp97, $4  }
0x3a1: {  	v56 =	vadd.s32 s13, v57  }
0x3a2: {  	v59 =	vnsel vm0, $0x80, v61;
	vm0 =	vgt.s32 v56, $0xFFFFFF80  }
0x3a3: {  	v61 =	vnsel vm0, $0xFFFFFF80, v56  }
0x3a4: {  	p2 =	por $0x1, $0x1;
	v60 =	vadd.s32 $0x80, v59;
	vm0 =	vlt.s32 v61, $0x80  }
0x3a5: {  	s8 =	sadd.s32 $0x10, s8  }
0x3a6: {  	s13 =	sadd.s32 s8, s31  }
0x3a7: {  	v56 =	vadd.s32 s13, v57;
	s13 =	sadd.s32 $0x1, s9  }
0x3a8: {  	p6 =	slt.u32 s13, s2  }
.Ltmp98:
0x3a9: {  	v62 =	vnsel vm0, $0x80, v61;
	(pc) =	sbr.rel @!p6 .LBB2_131-.Ltmp98, $4  }
0x3aa: {  	s14 =	sand.u32 $0x7, s19;
	v59 =	vld.idx.msk [tilespmem:v60+s5+$0x0], $0xffff;
	v60 =	vadd.s32 $0x80, v62  }
0x3ab: {  	s6 =	rddreg [dreg:$0x17];
	s28 =	sshll.u32 s14, $0x4;
	vm0 =	vgt.s32 v56, $0xFFFFFF80  }
0x3ac: {  	s16 =	sadd.s32 $0x1, s19;
	s9 =	sadd.s32 s28, s6;
	v61 =	vnsel vm0, $0xFFFFFF80, v56  }
0x3ad: {  	p5 =	por $0x1, $0x1;
	s14 =	smov.u32 s6;
	s9 =	sor.u32 $0x380, s9;
	vm0 =	vlt.s32 v61, $0x80  }
.LBB2_132:
0x3ae: {  	s13 =	sadd.s32 $0x1, s13  }
0x3af: {  	v56 =	vnsel vm0, $0x80, v61;
	s8 =	sadd.s32 $0x10, s8;
	[tilespmem:s9+$0x180] =	vst v59;
	v59 =	vld.idx.msk [tilespmem:v60+s5+$0x0], $0xffff;
	s14 =	sadd.s32 $0x80, s14;
	p6 =	slt.u32 s13, s2  }
.Ltmp99:
0x3b0: {  	s9 =	sadd.s32 s8, s31;
	v60 =	vadd.s32 $0x80, v56;
	(pc) =	sbr.rel @p6 .LBB2_132-.Ltmp99, $4  }
0x3b1: {  	v56 =	vadd.s32 s9, v57;
	s9 =	sand.u32 $0x7, s16  }
0x3b2: {  	vm0 =	vgt.s32 v56, $0xFFFFFF80;
	s9 =	sshll.u32 s9, $0x4  }
0x3b3: {  	v61 =	vnsel vm0, $0xFFFFFF80, v56;
	s9 =	sadd.s32 s9, s14  }
0x3b4: {  	s16 =	sadd.s32 $0x1, s16;
	vm0 =	vlt.s32 v61, $0x80;
	s9 =	sor.u32 $0x380, s9  }
.LBB2_133:
0x3b5: {  	v56 =	vnsel vm0, $0x80, v61  }
0x3b6: {  	v56 =	vadd.s32 $0x80, v56;
	_ =	sdelay $0x2  }
0x3b7: {  	v60 =	vld.idx.msk @p2 [tilespmem:v60+s5+$0x0], $0xffff;
	s8 =	sadd.s32 @p5 $0x80, s14;
	s14 =	smov.u32 s6  }
0x3b8: {  	s13 =	sand.u32 @p2 $0x7, s16;
	s16 =	sadd.s32 @p2 $0x1, s16;
	s14 =	smov.u32 @p5 s8  }
0x3b9: {  	s8 =	sshll.u32 @p2 s13, $0x4;
	s19 =	smov.u32 @p2 s16;
	s16 =	smov.u32 s6;
	v56 =	vld.idx.msk [tilespmem:v56+s5+$0x0], $0xffff  }
0x3ba: {  	s8 =	sadd.s32 @p2 s8, s14;
	s13 =	sadd.s32 @p2 $0x80, s14;
	s18 =	sand.u32 $0x7, s19  }
0x3bb: {  	s16 =	smov.u32 @p2 s13;
	s8 =	sor.u32 @p2 $0x380, s8;
	s19 =	sshll.u32 s18, $0x4  }
0x3bc: {  	[tilespmem:s9+$0x180] =	vst @p5 v59;
	s8 =	smov.u32 @p2 s8;
	s25 =	sadd.s32 s19, s16;
	v59 =	vpsel p2, v60, v0  }
0x3bd: {  	s28 =	sor.u32 $0x380, s25;
	[tilespmem:s8+$0x180] =	vst @p2 v59  }
0x3be: {  	[tilespmem:s28+$0x180] =	vst v56  }
.LBB2_134:
0x3bf: {  	s6 =	smov.u32 s24;
	s18 =	rddreg [dreg:$0xa]  }
0x3c0: {  	s24 =	smov.u32 s20;
	s25 =	sadd.s32 $0x8, s2;
	s8 =	sadd.s32 s18, s29  }
0x3c1: {  	s9 =	sadd.s32 s18, s22;
	p2 =	slt.u32 s25, s11;
	s8 =	sor.u32 $0x380, s8  }
.Ltmp100:
0x3c2: {  	s13 =	sadd.s32 s18, s21;
	s9 =	sor.u32 $0x380, s9;
	[tilespmem:s8+$0x180] =	vst v58;
	(pc) =	sbr.rel @!p2 .LBB2_136-.Ltmp100, $4  }
0x3c3: {  	s19 =	sadd.s32 s18, s7;
	s14 =	sadd.s32 s18, s17;
	s13 =	sor.u32 $0x380, s13;
	[tilespmem:s9+$0x180] =	vst v58  }
0x3c4: {  	s20 =	sadd.s32 s18, s12;
	s16 =	sadd.s32 s18, s4;
	s8 =	sor.u32 $0x380, s19;
	[tilespmem:s13+$0x180] =	vst v58  }
0x3c5: {  	s28 =	sadd.s32 s18, s3;
	s19 =	sor.u32 $0x380, s14;
	s14 =	sor.u32 $0x380, s20;
	[tilespmem:s8+$0x180] =	vst v58  }
0x3c6: {  	s13 =	sor.u32 $0x380, s16;
	s9 =	sor.u32 $0x380, s28;
	[tilespmem:s19+$0x180] =	vst v58;
	s8 =	sadd.s32 $0x400, s18  }
.LBB2_135:
0x3c7: {  	s16 =	sadd.s32 s8, s22  }
0x3c8: {  	s19 =	sadd.s32 s8, s29;
	s25 =	sadd.s32 $0x8, s25;
	[tilespmem:s14+$0x180] =	vst v58;
	s14 =	sadd.s32 s8, s21  }
0x3c9: {  	s20 =	sadd.s32 s8, s12;
	s19 =	sor.u32 $0x380, s19;
	p2 =	slt.u32 s25, s11;
	[tilespmem:s13+$0x180] =	vst v58  }
0x3ca: {  	s28 =	sadd.s32 s8, s4;
	s18 =	sadd.s32 s8, s3;
	s13 =	sadd.s32 s8, s17;
	[tilespmem:s19+$0x180] =	vst v58  }
.Ltmp101:
0x3cb: {  	s16 =	sor.u32 $0x380, s16;
	s19 =	sadd.s32 s8, s7;
	[tilespmem:s9+$0x180] =	vst v58;
	(pc) =	sbr.rel @p2 .LBB2_135-.Ltmp101, $4  }
0x3cc: {  	s9 =	sor.u32 $0x380, s19;
	s19 =	sor.u32 $0x380, s13;
	[tilespmem:s16+$0x180] =	vst v58;
	s16 =	sor.u32 $0x380, s14  }
0x3cd: {  	s13 =	sor.u32 $0x380, s28;
	s14 =	sor.u32 $0x380, s20;
	[tilespmem:s9+$0x180] =	vst v58;
	s9 =	sor.u32 $0x380, s18  }
0x3ce: {  	[tilespmem:s16+$0x180] =	vst v58  }
0x3cf: {  	s8 =	sadd.s32 $0x400, s8;
	[tilespmem:s19+$0x180] =	vst v58  }
.LBB2_136:
0x3d0: {  	[tilespmem:s14+$0x180] =	vst v58  }
.Ltmp102:
0x3d1: {  	[tilespmem:s13+$0x180] =	vst v58;
	(pc) =	sbr.rel @!p4 .LBB2_138-.Ltmp102, $4  }
0x3d2: {  	[tilespmem:s9+$0x180] =	vst v58  }
0x3d3: {  	s8 =	rddreg [dreg:$0x18]  }
0x3d4: {  	s28 =	rddreg [dreg:$0xb]  }
0x3d5: {  	s20 =	smov.u32 s24;
	s9 =	rddreg [dreg:$0xc];
	s13 =	smov.u32 s28  }
.LBB2_137:
0x3d6: {  	s13 =	sadd.s32 $0x1, s13  }
0x3d7: {  	p2 =	slt.u32 s13, $0x177  }
.Ltmp103:
0x3d8: {  	s14 =	sand.u32 $0x7, s8;
	(pc) =	sbr.rel @p2 .LBB2_137-.Ltmp103, $4  }
0x3d9: {  	s14 =	sshll.u32 s14, $0x4  }
0x3da: {  	s14 =	sadd.s32 s14, s9  }
0x3db: {  	s14 =	sor.u32 $0x380, s14  }
0x3dc: {  	s8 =	sadd.s32 $0x1, s8;
	s9 =	sadd.s32 $0x80, s9;
	[tilespmem:s14+$0x180] =	vst v58  }
.LBB2_138:
0x3dd: {  	s8 =	simm.s32 $0x3D80;
	s9 =	rddreg [dreg:$0x5]  }
0x3de: {  	[hbm4b:s9+s5] =	stream.linear.scatter [tilespmem:s8], [sflag:$0x1], $0x8000, $0x38;
	[tilespmem:$0xBD80] =	vst v63  }
0x3df: {  	s24 =	smov.u32 s6;
	s8 =	simm.s32 $0xE000  }
.LBB2_139:
0x3e0: {  	p2 =	sne.s32 s8, $0x0  }
.Ltmp104:
0x3e1: {  	_ = 	snop;
	(pc) =	sbr.rel @p2 .LBB2_139-.Ltmp104, $4  }
0x3e2: {  	_ = 	snop  }
0x3e3: {  	s13 =	sshra.s32 s8, $0x2;
	s8 =	sadd.s32 $0xFFFFF000, s8  }
0x3e4: {  	s9 =	sadd.s32 $0x10000, s9;
	s13 =	sadd.s32 $0x180, s13  }
0x3e5: {  	[hbm4b:s9+s5] =	stream.linear.scatter [tilespmem:s13], [sflag:$0x1], $0x8000, $0x38;
	[tilespmem:$0xBD80] =	vst v63  }
0x3e6: {  	_ =	swait.ge [sflag:s26], $0x8000  }
0x3e7: {  	[sflag:s26] =	ssyncset.done $0x0  }
0x3e8: {  	[sflag:s26] =	ssyncadd.s32 $0xFFFF8000  }
0x3e9: {  	_ =	swait.ge [sflag:s26], $0x8000  }
0x3ea: {  	[sflag:s26] =	ssyncset.done $0x0  }
0x3eb: {  	[sflag:s26] =	ssyncadd.s32 $0xFFFF8000  }
0x3ec: {  	_ =	swait.ge [sflag:s26], $0x8000  }
0x3ed: {  	[sflag:s26] =	ssyncset.done $0x0  }
0x3ee: {  	[sflag:s26] =	ssyncadd.s32 $0xFFFF8000  }
0x3ef: {  	_ =	swait.ge [sflag:s26], $0x8000  }
0x3f0: {  	[sflag:s26] =	ssyncset.done $0x0  }
0x3f1: {  	[sflag:s26] =	ssyncadd.s32 $0xFFFF8000  }
0x3f2: {  	_ =	swait.ge [sflag:s26], $0x8000  }
0x3f3: {  	[sflag:s26] =	ssyncset.done $0x0  }
0x3f4: {  	[sflag:s26] =	ssyncadd.s32 $0xFFFF8000  }
0x3f5: {  	_ =	swait.ge [sflag:s26], $0x8000  }
0x3f6: {  	[sflag:s26] =	ssyncset.done $0x0  }
0x3f7: {  	[sflag:s26] =	ssyncadd.s32 $0xFFFF8000  }
0x3f8: {  	_ =	swait.ge [sflag:s26], $0x8000  }
0x3f9: {  	[sflag:s26] =	ssyncset.done $0x0  }
0x3fa: {  	[sflag:s26] =	ssyncadd.s32 $0xFFFF8000  }
0x3fb: {  	_ =	swait.ge [sflag:s26], $0x8000  }
0x3fc: {  	[sflag:s26] =	ssyncset.done $0x0  }
0x3fd: {  	[sflag:s26] =	ssyncadd.s32 $0xFFFF8000  }
0x3fe: {  	_ =	swait.ge [sflag:s26], $0x8000  }
0x3ff: {  	[sflag:s26] =	ssyncset.done $0x0  }
0x400: {  	[sflag:s26] =	ssyncadd.s32 $0xFFFF8000  }
0x401: {  	_ =	swait.ge [sflag:s26], $0x8000  }
0x402: {  	[sflag:s26] =	ssyncset.done $0x0  }
0x403: {  	[sflag:s26] =	ssyncadd.s32 $0xFFFF8000  }
0x404: {  	_ =	swait.ge [sflag:s26], $0x8000  }
0x405: {  	[sflag:s26] =	ssyncset.done $0x0  }
0x406: {  	[sflag:s26] =	ssyncadd.s32 $0xFFFF8000  }
0x407: {  	_ =	swait.ge [sflag:s26], $0x8000  }
0x408: {  	[sflag:s26] =	ssyncset.done $0x0  }
0x409: {  	[sflag:s26] =	ssyncadd.s32 $0xFFFF8000  }
0x40a: {  	_ =	swait.ge [sflag:s26], $0x8000  }
0x40b: {  	[sflag:s26] =	ssyncset.done $0x0  }
0x40c: {  	[sflag:s26] =	ssyncadd.s32 $0xFFFF8000  }
0x40d: {  	_ =	swait.ge [sflag:s26], $0x8000  }
0x40e: {  	[sflag:s26] =	ssyncset.done $0x0  }
0x40f: {  	[sflag:s26] =	ssyncadd.s32 $0xFFFF8000  }
0x410: {  	_ =	swait.ge [sflag:s26], $0x8000  }
0x411: {  	[sflag:s26] =	ssyncset.done $0x0  }
0x412: {  	[sflag:s26] =	ssyncadd.s32 $0xFFFF8000  }
0x413: {  	_ =	swait.ge [sflag:s26], $0x8000  }
0x414: {  	s9 =	rddreg [dreg:$0x19]  }
0x415: {  	s8 =	rddreg [dreg:$0x6];
	s9 =	sadd.s32 $0x1, s9  }
0x416: {  	p2 =	sne.s32 s9, s8  }
.Ltmp105:
0x417: {  	_ = 	snop;
	(pc) =	sbr.rel @p2 .LBB2_1-.Ltmp105, $4  }
.Ltmp106:
0x418: {  	_ = 	snop;
	(pc) =	sbr.rel @!p2 .LBB2_141-.Ltmp106, $4  }
0x419: {  	_ = 	snop  }
0x41a: {  	[sflag:s26] =	ssyncset.done $0x0  }
0x41b: {  	[sflag:s26] =	ssyncadd.s32 $0xFFFF8000  }
0x41c: {  	_ = 	snop  }
.LBB2_6:
.Ltmp107:
0x41d: {  	(pc) =	sbr.rel .LBB2_13-.Ltmp107, $2  }
0x41e: {  	_ =	sdelay $0x2  }
0x41f: {  	s16 =	smov.u32 s18  }
.LBB2_23:
.Ltmp108:
0x420: {  	(pc) =	sbr.rel .LBB2_30-.Ltmp108, $2  }
0x421: {  	_ =	sdelay $0x2  }
0x422: {  	s16 =	smov.u32 s18  }
.LBB2_40:
.Ltmp109:
0x423: {  	(pc) =	sbr.rel .LBB2_47-.Ltmp109, $2  }
0x424: {  	_ =	sdelay $0x2  }
0x425: {  	s16 =	smov.u32 s18  }
.LBB2_57:
.Ltmp110:
0x426: {  	(pc) =	sbr.rel .LBB2_64-.Ltmp110, $2  }
0x427: {  	_ =	sdelay $0x2  }
0x428: {  	s16 =	smov.u32 s18  }
.LBB2_74:
.Ltmp111:
0x429: {  	(pc) =	sbr.rel .LBB2_81-.Ltmp111, $2  }
0x42a: {  	_ =	sdelay $0x2  }
0x42b: {  	s16 =	smov.u32 s18  }
.LBB2_91:
.Ltmp112:
0x42c: {  	(pc) =	sbr.rel .LBB2_98-.Ltmp112, $2  }
0x42d: {  	_ =	sdelay $0x2  }
0x42e: {  	s16 =	smov.u32 s18  }
.LBB2_108:
.Ltmp113:
0x42f: {  	(pc) =	sbr.rel .LBB2_115-.Ltmp113, $2  }
0x430: {  	_ =	sdelay $0x2  }
0x431: {  	s16 =	smov.u32 s18  }
.LBB2_127:
.Ltmp114:
0x432: {  	(pc) =	sbr.rel .LBB2_133-.Ltmp114, $3  }
0x433: {  	_ =	sdelay $0x1  }
0x434: {  	s6 =	rddreg [dreg:$0x17]  }
0x435: {  	s16 =	smov.u32 s19;
	s14 =	smov.u32 s6  }
.LBB2_8:
.Ltmp115:
0x436: {  	(pc) =	sbr.rel .LBB2_13-.Ltmp115, $2  }
0x437: {  	_ =	sdelay $0x2  }
0x438: {  	s8 =	smov.u32 s19;
	s16 =	smov.u32 s18;
	s19 =	smov.u32 s25  }
.LBB2_25:
.Ltmp116:
0x439: {  	(pc) =	sbr.rel .LBB2_30-.Ltmp116, $2  }
0x43a: {  	_ =	sdelay $0x2  }
0x43b: {  	s8 =	smov.u32 s25;
	s16 =	smov.u32 s18;
	s25 =	smov.u32 s9  }
.LBB2_42:
.Ltmp117:
0x43c: {  	(pc) =	sbr.rel .LBB2_47-.Ltmp117, $2  }
0x43d: {  	_ =	sdelay $0x2  }
0x43e: {  	s8 =	smov.u32 s25;
	s16 =	smov.u32 s18;
	s25 =	smov.u32 s9  }
.LBB2_59:
.Ltmp118:
0x43f: {  	(pc) =	sbr.rel .LBB2_64-.Ltmp118, $2  }
0x440: {  	_ =	sdelay $0x2  }
0x441: {  	s8 =	smov.u32 s25;
	s16 =	smov.u32 s18;
	s25 =	smov.u32 s9  }
.LBB2_76:
.Ltmp119:
0x442: {  	(pc) =	sbr.rel .LBB2_81-.Ltmp119, $2  }
0x443: {  	_ =	sdelay $0x2  }
0x444: {  	s8 =	smov.u32 s25;
	s16 =	smov.u32 s18;
	s25 =	smov.u32 s9  }
.LBB2_93:
.Ltmp120:
0x445: {  	(pc) =	sbr.rel .LBB2_98-.Ltmp120, $2  }
0x446: {  	_ =	sdelay $0x2  }
0x447: {  	s8 =	smov.u32 s25;
	s16 =	smov.u32 s18;
	s25 =	smov.u32 s9  }
.LBB2_110:
.Ltmp121:
0x448: {  	(pc) =	sbr.rel .LBB2_115-.Ltmp121, $2  }
0x449: {  	_ =	sdelay $0x2  }
0x44a: {  	s8 =	smov.u32 s25;
	s16 =	smov.u32 s18;
	s25 =	smov.u32 s9  }
.LBB2_129:
.Ltmp122:
0x44b: {  	(pc) =	sbr.rel .LBB2_133-.Ltmp122, $3  }
0x44c: {  	_ =	sdelay $0x1  }
0x44d: {  	s6 =	rddreg [dreg:$0x17]  }
0x44e: {  	s16 =	smov.u32 s19;
	s14 =	smov.u32 s6  }
.LBB2_10:
.Ltmp123:
0x44f: {  	(pc) =	sbr.rel .LBB2_13-.Ltmp123, $2  }
0x450: {  	_ =	sdelay $0x2  }
0x451: {  	s16 =	smov.u32 s18;
	s8 =	smov.u32 s25;
	s19 =	smov.u32 s9  }
.LBB2_27:
.Ltmp124:
0x452: {  	(pc) =	sbr.rel .LBB2_30-.Ltmp124, $2  }
0x453: {  	_ =	sdelay $0x2  }
0x454: {  	s16 =	smov.u32 s18;
	s8 =	smov.u32 s9;
	s25 =	smov.u32 s19  }
.LBB2_44:
.Ltmp125:
0x455: {  	(pc) =	sbr.rel .LBB2_47-.Ltmp125, $2  }
0x456: {  	_ =	sdelay $0x2  }
0x457: {  	s16 =	smov.u32 s18;
	s8 =	smov.u32 s9;
	s25 =	smov.u32 s19  }
.LBB2_61:
.Ltmp126:
0x458: {  	(pc) =	sbr.rel .LBB2_64-.Ltmp126, $2  }
0x459: {  	_ =	sdelay $0x2  }
0x45a: {  	s16 =	smov.u32 s18;
	s8 =	smov.u32 s9;
	s25 =	smov.u32 s19  }
.LBB2_78:
.Ltmp127:
0x45b: {  	(pc) =	sbr.rel .LBB2_81-.Ltmp127, $2  }
0x45c: {  	_ =	sdelay $0x2  }
0x45d: {  	s16 =	smov.u32 s18;
	s8 =	smov.u32 s9;
	s25 =	smov.u32 s19  }
.LBB2_95:
.Ltmp128:
0x45e: {  	(pc) =	sbr.rel .LBB2_98-.Ltmp128, $2  }
0x45f: {  	_ =	sdelay $0x2  }
0x460: {  	s16 =	smov.u32 s18;
	s8 =	smov.u32 s9;
	s25 =	smov.u32 s19  }
.LBB2_112:
.Ltmp129:
0x461: {  	(pc) =	sbr.rel .LBB2_115-.Ltmp129, $2  }
0x462: {  	_ =	sdelay $0x2  }
0x463: {  	s16 =	smov.u32 s18;
	s8 =	smov.u32 s9;
	s25 =	smov.u32 s19  }
.LBB2_131:
.Ltmp130:
0x464: {  	(pc) =	sbr.rel .LBB2_133-.Ltmp130, $2  }
0x465: {  	_ =	sdelay $0x2  }
0x466: {  	s14 =	smov.u32 s6  }
.LBB2_141:
0x467: {  	_ =	sfence.sel $0x180000  }
0x468: {  	[bflag:$0x0] =	sbarrier.arrive $0xFFFF  }
0x469: {  	_ =	strace $0x90000047  }
0x46a: {  	s0 =	stileid.u32;
	[bflag:$0x2] =	sbarrier.arrive $0xFFFF  }
0x46b: {  	p0 =	sne.s32 s0, $0x0;
	s0 =	rddreg [dreg:$0x2]  }
0x46c: {  	s0 =	sadd.s32 @!p0 $0x100000, s0  }
0x46d: {  	[sflag:s0] =	ssyncadd.tile.s32 @!p0 $0x1;
	_ =	shalt  }
.Lfunc_end2:
_tile_overlayer_lowered:
.L_overlay_start_2:
0x46e: {  	(tag) =	ssettag $0x2  }
0x46f: {  	s0 =	rddreg [dreg:$0x0];
	s2 =	stileid.u32  }
0x470: {  	s1 =	rddreg [dreg:$0x1];
	p0 =	sne.s32 s2, $0x0  }
0x471: {  	s3 =	rddreg [dreg:$0x2];
	[bflag:$0x3] =	sbarrier.arrive $0xFFFF;
	s2 =	simm.s32 @!p0 $0x1C02  }
0x472: {  	[timem:s3], [sflag:s2] =	dma.local @!p0 [hbm:s0], s1  }
0x473: {  	s0 =	simm.s32 @!p0 $0x2  }
0x474: {  	_ =	swait.ge @!p0 [sflag:s0], s1  }
0x475: {  	s1 =	ssub.s32 @!p0 $0x0, s1;
	[sflag:s0] =	ssyncset.done @!p0 $0x0  }
0x476: {  	[sflag:s0] =	ssyncadd.s32 @!p0 s1  }
0x477: {  	[bflag:$0x3] =	sbarrier.arrive $0xFFFF  }
0x478: {  	_ =	shalt  }

</sc_bundles>
